<compile_context>
chip_gen: v7x
topology: tpu7x:2x2x1
jax: 0.10.2.dev20260603
libtpu: 0.0.44.dev20260713+nightly
codegen_flags: <defaults>
</compile_context>

<pallas_src>
import jax
import jax.numpy as jnp
from jax import lax
from jax.experimental import pallas as pl
from jax.experimental.pallas import tpu as pltpu
from jax.experimental.pallas import tpu_sc as plsc

N = 10000
E = 320000
D = 128
NETYPES = 3
NSTEPS = 3

NC = 2
NS = 16
NW = NC * NS

_sc_mesh = plsc.VectorSubcoreMesh(core_axis_name="c", subcore_axis_name="s",
                                  num_cores=NC, num_subcores=NS)

EMB_CH = 80
EMB_NCH = 4
EMB_PW = EMB_CH * EMB_NCH
EMB_PAD = NW * EMB_PW


def _embed_body(idx_hbm, emb_hbm, out_hbm, idxv, rows, sem):
    cid = lax.axis_index("c")
    sid = lax.axis_index("s")
    wid = sid * NC + cid
    pltpu.sync_copy(idx_hbm.at[wid], idxv)

    def body(j, carry):
        pltpu.async_copy(emb_hbm.at[idxv.at[j]], rows, sem).wait()
        pltpu.sync_copy(rows, out_hbm.at[pl.ds(wid * EMB_PW + j * EMB_CH, EMB_CH)])
        return carry

    lax.fori_loop(0, EMB_NCH, body, 0)


def _embed(xp, emb):
    out = pl.kernel(
        _embed_body,
        out_type=jax.ShapeDtypeStruct((EMB_PAD, D), jnp.float32),
        mesh=_sc_mesh,
        scratch_types=[
            pltpu.VMEM((EMB_NCH, EMB_CH), jnp.int32),
            pltpu.VMEM((EMB_CH, D), jnp.float32),
            pltpu.SemaphoreType.DMA,
        ],
    )(xp, emb)
    return out[:N]


ECH = 128
ENCH = 79
E_PW = ECH * ENCH
E_PAD = NW * E_PW
NPAD = N + 112
RPS = NPAD // NS


def _edge_body(gidx_hbm, dst_hbm, htab_hbm, zrows_hbm, out_hbm,
               gbuf, dbuf, rows, acc, sem):
    cid = lax.axis_index("c")
    sid = lax.axis_index("s")
    wid = sid * NC + cid
    pltpu.sync_copy(zrows_hbm, acc.at[pl.ds(sid * RPS, RPS)])
    pltpu.sync_copy(gidx_hbm.at[wid], gbuf)
    pltpu.sync_copy(dst_hbm.at[wid], dbuf)
    plsc.subcore_barrier()

    def body(j, carry):
        pltpu.async_copy(htab_hbm.at[gbuf.at[j]], rows, sem).wait()
        pltpu.sync_copy(rows, acc.at[dbuf.at[j]], add=True)
        return carry

    lax.fori_loop(0, ENCH, body, 0)
    plsc.subcore_barrier()
    pltpu.sync_copy(acc.at[pl.ds(sid * RPS, RPS)],
                    out_hbm.at[cid, pl.ds(sid * RPS, RPS)])


def _edge(htab, gidx_r, dst_r, zrows):
    return pl.kernel(
        _edge_body,
        out_type=jax.ShapeDtypeStruct((NC, NPAD, D), jnp.float32),
        mesh=_sc_mesh,
        scratch_types=[
            pltpu.VMEM((ENCH, ECH), jnp.int32),
            pltpu.VMEM((ENCH, ECH), jnp.int32),
            pltpu.VMEM((ECH, D), jnp.float32),
            pltpu.VMEM_SHARED((NPAD, D), jnp.float32),
            pltpu.SemaphoreType.DMA,
        ],
    )(gidx_r, dst_r, htab, zrows)


BN = 400
NBLK = N // BN


def _transform_body(h_ref, w_ref, b_ref, out_ref):
    h = h_ref[...]
    w = w_ref[...]
    b = b_ref[...]
    for k in range(NETYPES):
        out_ref[k] = lax.dot_general(
            h, w[k], (((1,), (1,)), ((), ())),
            preferred_element_type=jnp.float32) + b[k][None, :]


def _transform(h, W, b):
    return pl.pallas_call(
        _transform_body,
        out_shape=jax.ShapeDtypeStruct((NETYPES, N, D), jnp.float32),
        grid=(NBLK,),
        in_specs=[
            pl.BlockSpec((BN, D), lambda i: (i, 0)),
            pl.BlockSpec((NETYPES, D, D), lambda i: (0, 0, 0)),
            pl.BlockSpec((NETYPES, D), lambda i: (0, 0)),
        ],
        out_specs=pl.BlockSpec((NETYPES, BN, D), lambda i: (0, i, 0)),
    )(h, W, b)


def _gru_body(p_ref, h_ref, wih_ref, whh_ref, bih_ref, bhh_ref, out_ref):
    a = p_ref[0] + p_ref[1]
    h = h_ref[...]
    gi = lax.dot_general(a, wih_ref[...], (((1,), (1,)), ((), ())),
                         preferred_element_type=jnp.float32) + bih_ref[...]
    gh = lax.dot_general(h, whh_ref[...], (((1,), (1,)), ((), ())),
                         preferred_element_type=jnp.float32) + bhh_ref[...]
    ir, iz, inn = gi[:, :D], gi[:, D:2 * D], gi[:, 2 * D:]
    hr, hz, hn = gh[:, :D], gh[:, D:2 * D], gh[:, 2 * D:]
    r = jax.nn.sigmoid(ir + hr)
    z = jax.nn.sigmoid(iz + hz)
    n = jnp.tanh(inn + r * hn)
    out_ref[...] = (1.0 - z) * n + z * h


def _gru(parts, h, wih, whh, bih2, bhh2):
    return pl.pallas_call(
        _gru_body,
        out_shape=jax.ShapeDtypeStruct((N, D), jnp.float32),
        grid=(NBLK,),
        in_specs=[
            pl.BlockSpec((NC, BN, D), lambda i: (0, i, 0)),
            pl.BlockSpec((BN, D), lambda i: (i, 0)),
            pl.BlockSpec((3 * D, D), lambda i: (0, 0)),
            pl.BlockSpec((3 * D, D), lambda i: (0, 0)),
            pl.BlockSpec((1, 3 * D), lambda i: (0, 0)),
            pl.BlockSpec((1, 3 * D), lambda i: (0, 0)),
        ],
        out_specs=pl.BlockSpec((BN, D), lambda i: (i, 0)),
    )(parts, h, wih, whh, bih2, bhh2)


def _pool_body(h_ref, gw_ref, gb_ref, out_ref):
    h = h_ref[...]
    g = lax.dot_general(gw_ref[...], h, (((1,), (1,)), ((), ())),
                        preferred_element_type=jnp.float32) + gb_ref[0, 0]
    m = jnp.max(g)
    e = jnp.exp(g - m)
    attn = e * (1.0 / jnp.sum(e))
    out_ref[...] = lax.dot_general(attn, h, (((1,), (0,)), ((), ())),
                                   preferred_element_type=jnp.float32)


def _pool(h, gate_w, gb2):
    return pl.pallas_call(
        _pool_body,
        out_shape=jax.ShapeDtypeStruct((1, D), jnp.float32),
    )(h, gate_w, gb2)


def kernel(x, edge_index, etypes, emb, W, b, wih, whh, bih, bhh, gate_w, gate_b):
    x = x.astype(jnp.int32)
    src = edge_index[0].astype(jnp.int32)
    dst = edge_index[1].astype(jnp.int32)
    et = etypes.astype(jnp.int32)

    gidx = et * N + src
    gidx_r = jnp.zeros((E_PAD,), jnp.int32).at[:E].set(gidx).reshape(NW, ENCH, ECH)
    dst_r = jnp.full((E_PAD,), N, jnp.int32).at[:E].set(dst).reshape(NW, ENCH, ECH)
    zrows = jnp.zeros((RPS, D), jnp.float32)
    xp = jnp.zeros((EMB_PAD,), jnp.int32).at[:N].set(x).reshape(NW, EMB_NCH, EMB_CH)

    bih2 = bih.reshape(1, 3 * D)
    bhh2 = bhh.reshape(1, 3 * D)
    gb2 = gate_b.reshape(1, 1)

    h = _embed(xp, emb)
    for _ in range(NSTEPS):
        htab = _transform(h, W, b).reshape(NETYPES * N, D)
        parts = _edge(htab, gidx_r, dst_r, zrows)
        h = _gru(parts, h, wih, whh, bih2, bhh2)
    return _pool(h, gate_w, gb2)

# --- scband reference (transcript-rebuilt; emitter-appended) ---
"""Pipeline reference for scband-tree-transformer-2405181685799 (READ-ONLY COPY).

The authoritative reference and input builder live on the scoring server;
editing this copy changes nothing except your own understanding.
"""

import jax, jax.numpy as jnp
import numpy as np

N = 10000
E = 320000
D = 128
VOCAB = 20000
NETYPES = 3
NSTEPS = 3


def setup_inputs(seed: int = 0) -> dict:
    key = jax.random.key(seed)
    ks = jax.random.split(key, 10)
    x = jax.random.randint(ks[0], (N,), 0, VOCAB)
    edge_index = jax.random.randint(ks[1], (2, E), 0, N)
    etypes = jax.random.randint(ks[2], (E,), 0, NETYPES)
    emb = jax.random.normal(ks[3], (VOCAB, D), jnp.float32) * 0.02
    W = jax.random.normal(ks[4], (NETYPES, D, D), jnp.float32) / np.sqrt(D)
    b = jnp.zeros((NETYPES, D), jnp.float32)
    wih = jax.random.normal(ks[5], (3 * D, D), jnp.float32) / np.sqrt(D)
    whh = jax.random.normal(ks[6], (3 * D, D), jnp.float32) / np.sqrt(D)
    bih = jnp.zeros((3 * D,), jnp.float32)
    bhh = jnp.zeros((3 * D,), jnp.float32)
    gate_w = jax.random.normal(ks[7], (1, D), jnp.float32) / np.sqrt(D)
    gate_b = jnp.zeros((1,), jnp.float32)
    return {"x": x, "edge_index": edge_index, "etypes": etypes, "emb": emb,
            "W": W, "b": b, "wih": wih, "whh": whh, "bih": bih, "bhh": bhh,
            "gate_w": gate_w, "gate_b": gate_b}


def reference(x, edge_index, etypes, emb, W, b, wih, whh, bih, bhh, gate_w, gate_b):
    # Embedding lookup (word_dropout is identity at eval time)
    h = jnp.take(emb, x, axis=0)  # [N, D]; in_feats == out_feats so no padding
    src = edge_index[0]
    dst = edge_index[1]
    # GatedGraphConv: n_steps of per-etype linear message + scatter-add + GRUCell
    for _ in range(NSTEPS):
        # per-etype linear transform of all node states: [NETYPES, N, D]
        h_trans = jnp.einsum('nd,ked->kne', h, W) + b[:, None, :]
        # gather the transformed src feature for each edge's etype
        msg = h_trans[etypes, src]  # [E, D]
        a = jnp.zeros((N, D), h.dtype).at[dst].add(msg)  # aggregate at dst
        # GRUCell(a, h)
        gi = a @ wih.T + bih
        gh = h @ whh.T + bhh
        ir, iz, inn = jnp.split(gi, 3, axis=1)
        hr, hz, hn = jnp.split(gh, 3, axis=1)
        r = jax.nn.sigmoid(ir + hr)
        z = jax.nn.sigmoid(iz + hz)
        n = jnp.tanh(inn + r * hn)
        h = (1.0 - z) * n + z * h
    # GlobalAttentionPooling over the single graph
    gate = h @ gate_w.T + gate_b  # [N, 1]
    attn = jax.nn.softmax(gate, axis=0)
    out = jnp.sum(h * attn, axis=0, keepdims=True)  # [1, D]
    return out

if __name__ == "__main__":
    import jax
    _d = setup_inputs()
    print(jax.jit(kernel)(*tuple(_d.values())))

</pallas_src>

<mosaic_0001>
#map = affine_map<(d0, d1) -> (0, 0, 0)>
#map1 = affine_map<(d0, d1) -> (0, 0)>
module attributes {stable_mosaic.version = 14 : i64} {
  func.func @_embed_body(%arg0: i32, %arg1: i32, %arg2: memref<32x4x80xi32, #tpu.memory_space<hbm>>, %arg3: memref<20000x128xf32, #tpu.memory_space<hbm>>, %arg4: memref<10240x128xf32, #tpu.memory_space<hbm>>, %arg5: memref<4x80xi32, #tpu.memory_space<vmem>>, %arg6: memref<80x128xf32, #tpu.memory_space<vmem>>, %arg7: memref<!tpu.dma_semaphore, #tpu.memory_space<semaphore_mem>>) attributes {dimension_semantics = [#tpu.dimension_semantics<core_parallel>, #tpu.dimension_semantics<subcore_parallel>], iteration_bounds = array<i64: 2, 16>, scalar_prefetch = 0 : i64, scratch_operands = 3 : i64, tpu.core_type = #tpu.core_type<sc_vector_subcore>, window_params = [{transform_indices = #map}, {transform_indices = #map1}, {transform_indices = #map1}]} {
    %mul3A = arith.constant 2 : i32
    %mul3A_0 = arith.muli %arg1, %mul3A : i32
    %add3A = arith.addi %mul3A_0, %arg0 : i32
    "tpu.region"() ({
      %run_scoped3A = tpu.sem_alloc : memref<!tpu.dma_semaphore, #tpu.memory_space<semaphore_mem>>
      %dma_start3A = arith.constant 0 : i32
      %dma_start3A_6 = arith.constant 0 : i32
      %dma_start3A_7 = tpu.memref_slice %arg2[%add3A, %dma_start3A, %dma_start3A_6] : memref<32x4x80xi32, #tpu.memory_space<hbm>> -> memref<1x4x80xi32, #tpu.memory_space<hbm>>
      %dma_start3A_8 = tpu.memref_squeeze %dma_start3A_7 : memref<1x4x80xi32, #tpu.memory_space<hbm>> -> memref<4x80xi32, #tpu.memory_space<hbm>>
      %dma_start3A_9 = arith.constant 0 : i32
      %dma_start3A_10 = arith.constant 0 : i32
      %dma_start3A_11 = tpu.memref_slice %arg2[%add3A, %dma_start3A_9, %dma_start3A_10] : memref<32x4x80xi32, #tpu.memory_space<hbm>> -> memref<1x4x80xi32, #tpu.memory_space<hbm>>
      %dma_start3A_12 = tpu.memref_squeeze %dma_start3A_11 : memref<1x4x80xi32, #tpu.memory_space<hbm>> -> memref<4x80xi32, #tpu.memory_space<hbm>>
      tpu.enqueue_dma source(%dma_start3A_12 : memref<4x80xi32, #tpu.memory_space<hbm>>) target(%arg5 : memref<4x80xi32, #tpu.memory_space<vmem>>) target_semaphore(%run_scoped3A : memref<!tpu.dma_semaphore, #tpu.memory_space<semaphore_mem>>)
      %dma_wait3A = arith.constant 0 : i32
      %dma_wait3A_13 = arith.constant 0 : i32
      %dma_wait3A_14 = tpu.memref_slice %arg2[%add3A, %dma_wait3A, %dma_wait3A_13] : memref<32x4x80xi32, #tpu.memory_space<hbm>> -> memref<1x4x80xi32, #tpu.memory_space<hbm>>
      %dma_wait3A_15 = tpu.memref_squeeze %dma_wait3A_14 : memref<1x4x80xi32, #tpu.memory_space<hbm>> -> memref<4x80xi32, #tpu.memory_space<hbm>>
      %dma_wait3A_16 = arith.constant 0 : i32
      %dma_wait3A_17 = arith.constant 0 : i32
      %dma_wait3A_18 = tpu.memref_slice %arg2[%add3A, %dma_wait3A_16, %dma_wait3A_17] : memref<32x4x80xi32, #tpu.memory_space<hbm>> -> memref<1x4x80xi32, #tpu.memory_space<hbm>>
      %dma_wait3A_19 = tpu.memref_squeeze %dma_wait3A_18 : memref<1x4x80xi32, #tpu.memory_space<hbm>> -> memref<4x80xi32, #tpu.memory_space<hbm>>
      tpu.wait_dma2 semaphore(%run_scoped3A : memref<!tpu.dma_semaphore, #tpu.memory_space<semaphore_mem>>) src(%dma_wait3A_19 : memref<4x80xi32, #tpu.memory_space<hbm>>) dst(%arg5 : memref<4x80xi32, #tpu.memory_space<vmem>>)
      tpu.yield
    }) : () -> ()
    %scan3A = arith.constant 0 : i32
    %scan3A_1 = arith.constant 0 : i32
    %scan3A_2 = arith.constant 4 : i32
    %scan3A_3 = arith.addi %scan3A_1, %scan3A_2 : i32
    %scan3A_4 = arith.constant 1 : i32
    scf.for %scan3A_6 = %scan3A_1 to %scan3A_3 step %scan3A_4  : i32 {
      %dma_start3A = arith.constant 0 : i32
      %dma_start3A_7 = tpu.memref_slice %arg5[%scan3A_6, %dma_start3A] : memref<4x80xi32, #tpu.memory_space<vmem>> -> memref<1x80xi32, #tpu.memory_space<vmem>>
      %dma_start3A_8 = tpu.memref_squeeze %dma_start3A_7 : memref<1x80xi32, #tpu.memory_space<vmem>> -> memref<80xi32, #tpu.memory_space<vmem>>
      %dma_start3A_9 = arith.constant 0 : i32
      %dma_start3A_10 = arith.constant 0 : i32
      %dma_start3A_11 = tpu.memref_slice %arg3[%dma_start3A_9, %dma_start3A_10] : memref<20000x128xf32, #tpu.memory_space<hbm>> -> memref<20000x128xf32, #tpu.memory_space<hbm>>
      tpu.enqueue_indirect_dma source(%dma_start3A_11 : memref<20000x128xf32, #tpu.memory_space<hbm>>) target(%arg6 : memref<80x128xf32, #tpu.memory_space<vmem>>) offsets(%dma_start3A_8 : memref<80xi32, #tpu.memory_space<vmem>>) semaphore(%arg7 : memref<!tpu.dma_semaphore, #tpu.memory_space<semaphore_mem>>)
      %dma_wait3A = arith.constant 0 : i32
      %dma_wait3A_12 = tpu.memref_slice %arg5[%scan3A_6, %dma_wait3A] : memref<4x80xi32, #tpu.memory_space<vmem>> -> memref<1x80xi32, #tpu.memory_space<vmem>>
      %dma_wait3A_13 = tpu.memref_squeeze %dma_wait3A_12 : memref<1x80xi32, #tpu.memory_space<vmem>> -> memref<80xi32, #tpu.memory_space<vmem>>
      %dma_wait3A_14 = arith.constant 0 : i32
      %dma_wait3A_15 = arith.constant 0 : i32
      %dma_wait3A_16 = tpu.memref_slice %arg3[%dma_wait3A_14, %dma_wait3A_15] : memref<20000x128xf32, #tpu.memory_space<hbm>> -> memref<20000x128xf32, #tpu.memory_space<hbm>>
      tpu.wait_indirect_dma semaphore(%arg7 : memref<!tpu.dma_semaphore, #tpu.memory_space<semaphore_mem>>) src(%dma_wait3A_16 : memref<20000x128xf32, #tpu.memory_space<hbm>>) dst(%arg6 : memref<80x128xf32, #tpu.memory_space<vmem>>)
      %mul3A_17 = arith.constant 320 : i32
      %mul3A_18 = arith.muli %add3A, %mul3A_17 : i32
      %mul3A_19 = arith.constant 80 : i32
      %mul3A_20 = arith.muli %scan3A_6, %mul3A_19 : i32
      %add3A_21 = arith.addi %mul3A_18, %mul3A_20 : i32
      "tpu.region"() ({
        %run_scoped3A = tpu.sem_alloc : memref<!tpu.dma_semaphore, #tpu.memory_space<semaphore_mem>>
        %dma_start3A_22 = arith.constant 0 : i32
        %dma_start3A_23 = tpu.memref_slice %arg4[%add3A_21, %dma_start3A_22] : memref<10240x128xf32, #tpu.memory_space<hbm>> -> memref<80x128xf32, #tpu.memory_space<hbm>>
        %dma_start3A_24 = arith.constant 0 : i32
        %dma_start3A_25 = tpu.memref_slice %arg4[%add3A_21, %dma_start3A_24] : memref<10240x128xf32, #tpu.memory_space<hbm>> -> memref<80x128xf32, #tpu.memory_space<hbm>>
        tpu.enqueue_dma source(%arg6 : memref<80x128xf32, #tpu.memory_space<vmem>>) target(%dma_start3A_25 : memref<80x128xf32, #tpu.memory_space<hbm>>) target_semaphore(%run_scoped3A : memref<!tpu.dma_semaphore, #tpu.memory_space<semaphore_mem>>)
        %dma_wait3A_26 = arith.constant 0 : i32
        %dma_wait3A_27 = tpu.memref_slice %arg4[%add3A_21, %dma_wait3A_26] : memref<10240x128xf32, #tpu.memory_space<hbm>> -> memref<80x128xf32, #tpu.memory_space<hbm>>
        %dma_wait3A_28 = arith.constant 0 : i32
        %dma_wait3A_29 = tpu.memref_slice %arg4[%add3A_21, %dma_wait3A_28] : memref<10240x128xf32, #tpu.memory_space<hbm>> -> memref<80x128xf32, #tpu.memory_space<hbm>>
        tpu.wait_dma2 semaphore(%run_scoped3A : memref<!tpu.dma_semaphore, #tpu.memory_space<semaphore_mem>>) src(%arg6 : memref<80x128xf32, #tpu.memory_space<vmem>>) dst(%dma_wait3A_29 : memref<80x128xf32, #tpu.memory_space<hbm>>)
        tpu.yield
      }) : () -> ()
    }
    %scan3A_5 = arith.constant 4 : i32
    return
  }
}

#map = affine_map<(d0, d1) -> (0, 0, 0)>
#map1 = affine_map<(d0, d1) -> (0, 0)>
module attributes {stable_mosaic.version = 14 : i64} {
  func.func @_edge_body(%arg0: i32, %arg1: i32, %arg2: memref<32x79x128xi32, #tpu.memory_space<hbm>>, %arg3: memref<32x79x128xi32, #tpu.memory_space<hbm>>, %arg4: memref<30000x128xf32, #tpu.memory_space<hbm>>, %arg5: memref<632x128xf32, #tpu.memory_space<hbm>>, %arg6: memref<2x10112x128xf32, #tpu.memory_space<hbm>>, %arg7: memref<79x128xi32, #tpu.memory_space<vmem>>, %arg8: memref<79x128xi32, #tpu.memory_space<vmem>>, %arg9: memref<128x128xf32, #tpu.memory_space<vmem>>, %arg10: memref<10112x128xf32, #tpu.memory_space<vmem_shared>>, %arg11: memref<!tpu.dma_semaphore, #tpu.memory_space<semaphore_mem>>) attributes {dimension_semantics = [#tpu.dimension_semantics<core_parallel>, #tpu.dimension_semantics<subcore_parallel>], iteration_bounds = array<i64: 2, 16>, scalar_prefetch = 0 : i64, scratch_operands = 5 : i64, tpu.core_type = #tpu.core_type<sc_vector_subcore>, window_params = [{transform_indices = #map}, {transform_indices = #map}, {transform_indices = #map1}, {transform_indices = #map1}, {transform_indices = #map}]} {
    %mul3A = arith.constant 2 : i32
    %mul3A_0 = arith.muli %arg1, %mul3A : i32
    %add3A = arith.addi %mul3A_0, %arg0 : i32
    %mul3A_1 = arith.constant 632 : i32
    %mul3A_2 = arith.muli %arg1, %mul3A_1 : i32
    "tpu.region"() ({
      %run_scoped3A = tpu.sem_alloc : memref<!tpu.dma_semaphore, #tpu.memory_space<semaphore_mem>>
      %dma_start3A = arith.constant 0 : i32
      %dma_start3A_13 = tpu.memref_slice %arg10[%mul3A_2, %dma_start3A] : memref<10112x128xf32, #tpu.memory_space<vmem_shared>> -> memref<632x128xf32, #tpu.memory_space<vmem_shared>>
      tpu.enqueue_dma source(%arg5 : memref<632x128xf32, #tpu.memory_space<hbm>>) target(%dma_start3A_13 : memref<632x128xf32, #tpu.memory_space<vmem_shared>>) target_semaphore(%run_scoped3A : memref<!tpu.dma_semaphore, #tpu.memory_space<semaphore_mem>>)
      %dma_wait3A = arith.constant 0 : i32
      %dma_wait3A_14 = tpu.memref_slice %arg10[%mul3A_2, %dma_wait3A] : memref<10112x128xf32, #tpu.memory_space<vmem_shared>> -> memref<632x128xf32, #tpu.memory_space<vmem_shared>>
      tpu.wait_dma2 semaphore(%run_scoped3A : memref<!tpu.dma_semaphore, #tpu.memory_space<semaphore_mem>>) src(%arg5 : memref<632x128xf32, #tpu.memory_space<hbm>>) dst(%dma_wait3A_14 : memref<632x128xf32, #tpu.memory_space<vmem_shared>>)
      tpu.yield
    }) : () -> ()
    "tpu.region"() ({
      %run_scoped3A = tpu.sem_alloc : memref<!tpu.dma_semaphore, #tpu.memory_space<semaphore_mem>>
      %dma_start3A = arith.constant 0 : i32
      %dma_start3A_13 = arith.constant 0 : i32
      %dma_start3A_14 = tpu.memref_slice %arg2[%add3A, %dma_start3A, %dma_start3A_13] : memref<32x79x128xi32, #tpu.memory_space<hbm>> -> memref<1x79x128xi32, #tpu.memory_space<hbm>>
      %dma_start3A_15 = tpu.memref_squeeze %dma_start3A_14 : memref<1x79x128xi32, #tpu.memory_space<hbm>> -> memref<79x128xi32, #tpu.memory_space<hbm>>
      %dma_start3A_16 = arith.constant 0 : i32
      %dma_start3A_17 = arith.constant 0 : i32
      %dma_start3A_18 = tpu.memref_slice %arg2[%add3A, %dma_start3A_16, %dma_start3A_17] : memref<32x79x128xi32, #tpu.memory_space<hbm>> -> memref<1x79x128xi32, #tpu.memory_space<hbm>>
      %dma_start3A_19 = tpu.memref_squeeze %dma_start3A_18 : memref<1x79x128xi32, #tpu.memory_space<hbm>> -> memref<79x128xi32, #tpu.memory_space<hbm>>
      tpu.enqueue_dma source(%dma_start3A_19 : memref<79x128xi32, #tpu.memory_space<hbm>>) target(%arg7 : memref<79x128xi32, #tpu.memory_space<vmem>>) target_semaphore(%run_scoped3A : memref<!tpu.dma_semaphore, #tpu.memory_space<semaphore_mem>>)
      %dma_wait3A = arith.constant 0 : i32
      %dma_wait3A_20 = arith.constant 0 : i32
      %dma_wait3A_21 = tpu.memref_slice %arg2[%add3A, %dma_wait3A, %dma_wait3A_20] : memref<32x79x128xi32, #tpu.memory_space<hbm>> -> memref<1x79x128xi32, #tpu.memory_space<hbm>>
      %dma_wait3A_22 = tpu.memref_squeeze %dma_wait3A_21 : memref<1x79x128xi32, #tpu.memory_space<hbm>> -> memref<79x128xi32, #tpu.memory_space<hbm>>
      %dma_wait3A_23 = arith.constant 0 : i32
      %dma_wait3A_24 = arith.constant 0 : i32
      %dma_wait3A_25 = tpu.memref_slice %arg2[%add3A, %dma_wait3A_23, %dma_wait3A_24] : memref<32x79x128xi32, #tpu.memory_space<hbm>> -> memref<1x79x128xi32, #tpu.memory_space<hbm>>
      %dma_wait3A_26 = tpu.memref_squeeze %dma_wait3A_25 : memref<1x79x128xi32, #tpu.memory_space<hbm>> -> memref<79x128xi32, #tpu.memory_space<hbm>>
      tpu.wait_dma2 semaphore(%run_scoped3A : memref<!tpu.dma_semaphore, #tpu.memory_space<semaphore_mem>>) src(%dma_wait3A_26 : memref<79x128xi32, #tpu.memory_space<hbm>>) dst(%arg7 : memref<79x128xi32, #tpu.memory_space<vmem>>)
      tpu.yield
    }) : () -> ()
    "tpu.region"() ({
      %run_scoped3A = tpu.sem_alloc : memref<!tpu.dma_semaphore, #tpu.memory_space<semaphore_mem>>
      %dma_start3A = arith.constant 0 : i32
      %dma_start3A_13 = arith.constant 0 : i32
      %dma_start3A_14 = tpu.memref_slice %arg3[%add3A, %dma_start3A, %dma_start3A_13] : memref<32x79x128xi32, #tpu.memory_space<hbm>> -> memref<1x79x128xi32, #tpu.memory_space<hbm>>
      %dma_start3A_15 = tpu.memref_squeeze %dma_start3A_14 : memref<1x79x128xi32, #tpu.memory_space<hbm>> -> memref<79x128xi32, #tpu.memory_space<hbm>>
      %dma_start3A_16 = arith.constant 0 : i32
      %dma_start3A_17 = arith.constant 0 : i32
      %dma_start3A_18 = tpu.memref_slice %arg3[%add3A, %dma_start3A_16, %dma_start3A_17] : memref<32x79x128xi32, #tpu.memory_space<hbm>> -> memref<1x79x128xi32, #tpu.memory_space<hbm>>
      %dma_start3A_19 = tpu.memref_squeeze %dma_start3A_18 : memref<1x79x128xi32, #tpu.memory_space<hbm>> -> memref<79x128xi32, #tpu.memory_space<hbm>>
      tpu.enqueue_dma source(%dma_start3A_19 : memref<79x128xi32, #tpu.memory_space<hbm>>) target(%arg8 : memref<79x128xi32, #tpu.memory_space<vmem>>) target_semaphore(%run_scoped3A : memref<!tpu.dma_semaphore, #tpu.memory_space<semaphore_mem>>)
      %dma_wait3A = arith.constant 0 : i32
      %dma_wait3A_20 = arith.constant 0 : i32
      %dma_wait3A_21 = tpu.memref_slice %arg3[%add3A, %dma_wait3A, %dma_wait3A_20] : memref<32x79x128xi32, #tpu.memory_space<hbm>> -> memref<1x79x128xi32, #tpu.memory_space<hbm>>
      %dma_wait3A_22 = tpu.memref_squeeze %dma_wait3A_21 : memref<1x79x128xi32, #tpu.memory_space<hbm>> -> memref<79x128xi32, #tpu.memory_space<hbm>>
      %dma_wait3A_23 = arith.constant 0 : i32
      %dma_wait3A_24 = arith.constant 0 : i32
      %dma_wait3A_25 = tpu.memref_slice %arg3[%add3A, %dma_wait3A_23, %dma_wait3A_24] : memref<32x79x128xi32, #tpu.memory_space<hbm>> -> memref<1x79x128xi32, #tpu.memory_space<hbm>>
      %dma_wait3A_26 = tpu.memref_squeeze %dma_wait3A_25 : memref<1x79x128xi32, #tpu.memory_space<hbm>> -> memref<79x128xi32, #tpu.memory_space<hbm>>
      tpu.wait_dma2 semaphore(%run_scoped3A : memref<!tpu.dma_semaphore, #tpu.memory_space<semaphore_mem>>) src(%dma_wait3A_26 : memref<79x128xi32, #tpu.memory_space<hbm>>) dst(%arg8 : memref<79x128xi32, #tpu.memory_space<vmem>>)
      tpu.yield
    }) : () -> ()
    %barrier3A = arith.constant 0 : index
    tpu.barrier barrier_id(%barrier3A)
    %scan3A = arith.constant 0 : i32
    %scan3A_3 = arith.constant 0 : i32
    %scan3A_4 = arith.constant 79 : i32
    %scan3A_5 = arith.addi %scan3A_3, %scan3A_4 : i32
    %scan3A_6 = arith.constant 1 : i32
    scf.for %scan3A_13 = %scan3A_3 to %scan3A_5 step %scan3A_6  : i32 {
      %dma_start3A = arith.constant 0 : i32
      %dma_start3A_14 = tpu.memref_slice %arg7[%scan3A_13, %dma_start3A] : memref<79x128xi32, #tpu.memory_space<vmem>> -> memref<1x128xi32, #tpu.memory_space<vmem>>
      %dma_start3A_15 = tpu.memref_squeeze %dma_start3A_14 : memref<1x128xi32, #tpu.memory_space<vmem>> -> memref<128xi32, #tpu.memory_space<vmem>>
      %dma_start3A_16 = arith.constant 0 : i32
      %dma_start3A_17 = arith.constant 0 : i32
      %dma_start3A_18 = tpu.memref_slice %arg4[%dma_start3A_16, %dma_start3A_17] : memref<30000x128xf32, #tpu.memory_space<hbm>> -> memref<30000x128xf32, #tpu.memory_space<hbm>>
      tpu.enqueue_indirect_dma source(%dma_start3A_18 : memref<30000x128xf32, #tpu.memory_space<hbm>>) target(%arg9 : memref<128x128xf32, #tpu.memory_space<vmem>>) offsets(%dma_start3A_15 : memref<128xi32, #tpu.memory_space<vmem>>) semaphore(%arg11 : memref<!tpu.dma_semaphore, #tpu.memory_space<semaphore_mem>>)
      %dma_wait3A = arith.constant 0 : i32
      %dma_wait3A_19 = tpu.memref_slice %arg7[%scan3A_13, %dma_wait3A] : memref<79x128xi32, #tpu.memory_space<vmem>> -> memref<1x128xi32, #tpu.memory_space<vmem>>
      %dma_wait3A_20 = tpu.memref_squeeze %dma_wait3A_19 : memref<1x128xi32, #tpu.memory_space<vmem>> -> memref<128xi32, #tpu.memory_space<vmem>>
      %dma_wait3A_21 = arith.constant 0 : i32
      %dma_wait3A_22 = arith.constant 0 : i32
      %dma_wait3A_23 = tpu.memref_slice %arg4[%dma_wait3A_21, %dma_wait3A_22] : memref<30000x128xf32, #tpu.memory_space<hbm>> -> memref<30000x128xf32, #tpu.memory_space<hbm>>
      tpu.wait_indirect_dma semaphore(%arg11 : memref<!tpu.dma_semaphore, #tpu.memory_space<semaphore_mem>>) src(%dma_wait3A_23 : memref<30000x128xf32, #tpu.memory_space<hbm>>) dst(%arg9 : memref<128x128xf32, #tpu.memory_space<vmem>>)
      "tpu.region"() ({
        %run_scoped3A = tpu.sem_alloc : memref<!tpu.dma_semaphore, #tpu.memory_space<semaphore_mem>>
        %dma_start3A_24 = arith.constant 0 : i32
        %dma_start3A_25 = tpu.memref_slice %arg8[%scan3A_13, %dma_start3A_24] : memref<79x128xi32, #tpu.memory_space<vmem>> -> memref<1x128xi32, #tpu.memory_space<vmem>>
        %dma_start3A_26 = tpu.memref_squeeze %dma_start3A_25 : memref<1x128xi32, #tpu.memory_space<vmem>> -> memref<128xi32, #tpu.memory_space<vmem>>
        %dma_start3A_27 = arith.constant 0 : i32
        %dma_start3A_28 = arith.constant 0 : i32
        %dma_start3A_29 = tpu.memref_slice %arg10[%dma_start3A_27, %dma_start3A_28] : memref<10112x128xf32, #tpu.memory_space<vmem_shared>> -> memref<10112x128xf32, #tpu.memory_space<vmem_shared>>
        tpu.enqueue_indirect_dma source(%arg9 : memref<128x128xf32, #tpu.memory_space<vmem>>) target(%dma_start3A_29 : memref<10112x128xf32, #tpu.memory_space<vmem_shared>>) offsets(%dma_start3A_26 : memref<128xi32, #tpu.memory_space<vmem>>) semaphore(%run_scoped3A : memref<!tpu.dma_semaphore, #tpu.memory_space<semaphore_mem>>) {add = true}
        %dma_wait3A_30 = arith.constant 0 : i32
        %dma_wait3A_31 = tpu.memref_slice %arg8[%scan3A_13, %dma_wait3A_30] : memref<79x128xi32, #tpu.memory_space<vmem>> -> memref<1x128xi32, #tpu.memory_space<vmem>>
        %dma_wait3A_32 = tpu.memref_squeeze %dma_wait3A_31 : memref<1x128xi32, #tpu.memory_space<vmem>> -> memref<128xi32, #tpu.memory_space<vmem>>
        %dma_wait3A_33 = arith.constant 0 : i32
        %dma_wait3A_34 = arith.constant 0 : i32
        %dma_wait3A_35 = tpu.memref_slice %arg10[%dma_wait3A_33, %dma_wait3A_34] : memref<10112x128xf32, #tpu.memory_space<vmem_shared>> -> memref<10112x128xf32, #tpu.memory_space<vmem_shared>>
        tpu.wait_indirect_dma semaphore(%run_scoped3A : memref<!tpu.dma_semaphore, #tpu.memory_space<semaphore_mem>>) src(%arg9 : memref<128x128xf32, #tpu.memory_space<vmem>>) dst(%dma_wait3A_35 : memref<10112x128xf32, #tpu.memory_space<vmem_shared>>)
        tpu.yield
      }) : () -> ()
    }
    %scan3A_7 = arith.constant 79 : i32
    %barrier3A_8 = arith.constant 0 : index
    tpu.barrier barrier_id(%barrier3A_8)
    %mul3A_9 = arith.constant 632 : i32
    %mul3A_10 = arith.muli %arg1, %mul3A_9 : i32
    %mul3A_11 = arith.constant 632 : i32
    %mul3A_12 = arith.muli %arg1, %mul3A_11 : i32
    "tpu.region"() ({
      %run_scoped3A = tpu.sem_alloc : memref<!tpu.dma_semaphore, #tpu.memory_space<semaphore_mem>>
      %dma_start3A = arith.constant 0 : i32
      %dma_start3A_13 = tpu.memref_slice %arg6[%arg0, %mul3A_12, %dma_start3A] : memref<2x10112x128xf32, #tpu.memory_space<hbm>> -> memref<1x632x128xf32, #tpu.memory_space<hbm>>
      %dma_start3A_14 = tpu.memref_squeeze %dma_start3A_13 : memref<1x632x128xf32, #tpu.memory_space<hbm>> -> memref<632x128xf32, #tpu.memory_space<hbm>>
      %dma_start3A_15 = arith.constant 0 : i32
      %dma_start3A_16 = tpu.memref_slice %arg10[%mul3A_10, %dma_start3A_15] : memref<10112x128xf32, #tpu.memory_space<vmem_shared>> -> memref<632x128xf32, #tpu.memory_space<vmem_shared>>
      tpu.enqueue_dma source(%dma_start3A_16 : memref<632x128xf32, #tpu.memory_space<vmem_shared>>) target(%dma_start3A_14 : memref<632x128xf32, #tpu.memory_space<hbm>>) target_semaphore(%run_scoped3A : memref<!tpu.dma_semaphore, #tpu.memory_space<semaphore_mem>>)
      %dma_wait3A = arith.constant 0 : i32
      %dma_wait3A_17 = tpu.memref_slice %arg6[%arg0, %mul3A_12, %dma_wait3A] : memref<2x10112x128xf32, #tpu.memory_space<hbm>> -> memref<1x632x128xf32, #tpu.memory_space<hbm>>
      %dma_wait3A_18 = tpu.memref_squeeze %dma_wait3A_17 : memref<1x632x128xf32, #tpu.memory_space<hbm>> -> memref<632x128xf32, #tpu.memory_space<hbm>>
      %dma_wait3A_19 = arith.constant 0 : i32
      %dma_wait3A_20 = tpu.memref_slice %arg10[%mul3A_10, %dma_wait3A_19] : memref<10112x128xf32, #tpu.memory_space<vmem_shared>> -> memref<632x128xf32, #tpu.memory_space<vmem_shared>>
      tpu.wait_dma2 semaphore(%run_scoped3A : memref<!tpu.dma_semaphore, #tpu.memory_space<semaphore_mem>>) src(%dma_wait3A_20 : memref<632x128xf32, #tpu.memory_space<vmem_shared>>) dst(%dma_wait3A_18 : memref<632x128xf32, #tpu.memory_space<hbm>>)
      tpu.yield
    }) : () -> ()
    return
  }
}

#map = affine_map<(d0, d1) -> (0, 0, 0)>
#map1 = affine_map<(d0, d1) -> (0, 0)>
module attributes {stable_mosaic.version = 14 : i64} {
  func.func @_edge_body(%arg0: i32, %arg1: i32, %arg2: memref<32x79x128xi32, #tpu.memory_space<hbm>>, %arg3: memref<32x79x128xi32, #tpu.memory_space<hbm>>, %arg4: memref<30000x128xf32, #tpu.memory_space<hbm>>, %arg5: memref<632x128xf32, #tpu.memory_space<hbm>>, %arg6: memref<2x10112x128xf32, #tpu.memory_space<hbm>>, %arg7: memref<79x128xi32, #tpu.memory_space<vmem>>, %arg8: memref<79x128xi32, #tpu.memory_space<vmem>>, %arg9: memref<128x128xf32, #tpu.memory_space<vmem>>, %arg10: memref<10112x128xf32, #tpu.memory_space<vmem_shared>>, %arg11: memref<!tpu.dma_semaphore, #tpu.memory_space<semaphore_mem>>) attributes {dimension_semantics = [#tpu.dimension_semantics<core_parallel>, #tpu.dimension_semantics<subcore_parallel>], iteration_bounds = array<i64: 2, 16>, scalar_prefetch = 0 : i64, scratch_operands = 5 : i64, tpu.core_type = #tpu.core_type<sc_vector_subcore>, window_params = [{transform_indices = #map}, {transform_indices = #map}, {transform_indices = #map1}, {transform_indices = #map1}, {transform_indices = #map}]} {
    %mul3A = arith.constant 2 : i32
    %mul3A_0 = arith.muli %arg1, %mul3A : i32
    %add3A = arith.addi %mul3A_0, %arg0 : i32
    %mul3A_1 = arith.constant 632 : i32
    %mul3A_2 = arith.muli %arg1, %mul3A_1 : i32
    "tpu.region"() ({
      %run_scoped3A = tpu.sem_alloc : memref<!tpu.dma_semaphore, #tpu.memory_space<semaphore_mem>>
      %dma_start3A = arith.constant 0 : i32
      %dma_start3A_13 = tpu.memref_slice %arg10[%mul3A_2, %dma_start3A] : memref<10112x128xf32, #tpu.memory_space<vmem_shared>> -> memref<632x128xf32, #tpu.memory_space<vmem_shared>>
      tpu.enqueue_dma source(%arg5 : memref<632x128xf32, #tpu.memory_space<hbm>>) target(%dma_start3A_13 : memref<632x128xf32, #tpu.memory_space<vmem_shared>>) target_semaphore(%run_scoped3A : memref<!tpu.dma_semaphore, #tpu.memory_space<semaphore_mem>>)
      %dma_wait3A = arith.constant 0 : i32
      %dma_wait3A_14 = tpu.memref_slice %arg10[%mul3A_2, %dma_wait3A] : memref<10112x128xf32, #tpu.memory_space<vmem_shared>> -> memref<632x128xf32, #tpu.memory_space<vmem_shared>>
      tpu.wait_dma2 semaphore(%run_scoped3A : memref<!tpu.dma_semaphore, #tpu.memory_space<semaphore_mem>>) src(%arg5 : memref<632x128xf32, #tpu.memory_space<hbm>>) dst(%dma_wait3A_14 : memref<632x128xf32, #tpu.memory_space<vmem_shared>>)
      tpu.yield
    }) : () -> ()
    "tpu.region"() ({
      %run_scoped3A = tpu.sem_alloc : memref<!tpu.dma_semaphore, #tpu.memory_space<semaphore_mem>>
      %dma_start3A = arith.constant 0 : i32
      %dma_start3A_13 = arith.constant 0 : i32
      %dma_start3A_14 = tpu.memref_slice %arg2[%add3A, %dma_start3A, %dma_start3A_13] : memref<32x79x128xi32, #tpu.memory_space<hbm>> -> memref<1x79x128xi32, #tpu.memory_space<hbm>>
      %dma_start3A_15 = tpu.memref_squeeze %dma_start3A_14 : memref<1x79x128xi32, #tpu.memory_space<hbm>> -> memref<79x128xi32, #tpu.memory_space<hbm>>
      %dma_start3A_16 = arith.constant 0 : i32
      %dma_start3A_17 = arith.constant 0 : i32
      %dma_start3A_18 = tpu.memref_slice %arg2[%add3A, %dma_start3A_16, %dma_start3A_17] : memref<32x79x128xi32, #tpu.memory_space<hbm>> -> memref<1x79x128xi32, #tpu.memory_space<hbm>>
      %dma_start3A_19 = tpu.memref_squeeze %dma_start3A_18 : memref<1x79x128xi32, #tpu.memory_space<hbm>> -> memref<79x128xi32, #tpu.memory_space<hbm>>
      tpu.enqueue_dma source(%dma_start3A_19 : memref<79x128xi32, #tpu.memory_space<hbm>>) target(%arg7 : memref<79x128xi32, #tpu.memory_space<vmem>>) target_semaphore(%run_scoped3A : memref<!tpu.dma_semaphore, #tpu.memory_space<semaphore_mem>>)
      %dma_wait3A = arith.constant 0 : i32
      %dma_wait3A_20 = arith.constant 0 : i32
      %dma_wait3A_21 = tpu.memref_slice %arg2[%add3A, %dma_wait3A, %dma_wait3A_20] : memref<32x79x128xi32, #tpu.memory_space<hbm>> -> memref<1x79x128xi32, #tpu.memory_space<hbm>>
      %dma_wait3A_22 = tpu.memref_squeeze %dma_wait3A_21 : memref<1x79x128xi32, #tpu.memory_space<hbm>> -> memref<79x128xi32, #tpu.memory_space<hbm>>
      %dma_wait3A_23 = arith.constant 0 : i32
      %dma_wait3A_24 = arith.constant 0 : i32
      %dma_wait3A_25 = tpu.memref_slice %arg2[%add3A, %dma_wait3A_23, %dma_wait3A_24] : memref<32x79x128xi32, #tpu.memory_space<hbm>> -> memref<1x79x128xi32, #tpu.memory_space<hbm>>
      %dma_wait3A_26 = tpu.memref_squeeze %dma_wait3A_25 : memref<1x79x128xi32, #tpu.memory_space<hbm>> -> memref<79x128xi32, #tpu.memory_space<hbm>>
      tpu.wait_dma2 semaphore(%run_scoped3A : memref<!tpu.dma_semaphore, #tpu.memory_space<semaphore_mem>>) src(%dma_wait3A_26 : memref<79x128xi32, #tpu.memory_space<hbm>>) dst(%arg7 : memref<79x128xi32, #tpu.memory_space<vmem>>)
      tpu.yield
    }) : () -> ()
    "tpu.region"() ({
      %run_scoped3A = tpu.sem_alloc : memref<!tpu.dma_semaphore, #tpu.memory_space<semaphore_mem>>
      %dma_start3A = arith.constant 0 : i32
      %dma_start3A_13 = arith.constant 0 : i32
      %dma_start3A_14 = tpu.memref_slice %arg3[%add3A, %dma_start3A, %dma_start3A_13] : memref<32x79x128xi32, #tpu.memory_space<hbm>> -> memref<1x79x128xi32, #tpu.memory_space<hbm>>
      %dma_start3A_15 = tpu.memref_squeeze %dma_start3A_14 : memref<1x79x128xi32, #tpu.memory_space<hbm>> -> memref<79x128xi32, #tpu.memory_space<hbm>>
      %dma_start3A_16 = arith.constant 0 : i32
      %dma_start3A_17 = arith.constant 0 : i32
      %dma_start3A_18 = tpu.memref_slice %arg3[%add3A, %dma_start3A_16, %dma_start3A_17] : memref<32x79x128xi32, #tpu.memory_space<hbm>> -> memref<1x79x128xi32, #tpu.memory_space<hbm>>
      %dma_start3A_19 = tpu.memref_squeeze %dma_start3A_18 : memref<1x79x128xi32, #tpu.memory_space<hbm>> -> memref<79x128xi32, #tpu.memory_space<hbm>>
      tpu.enqueue_dma source(%dma_start3A_19 : memref<79x128xi32, #tpu.memory_space<hbm>>) target(%arg8 : memref<79x128xi32, #tpu.memory_space<vmem>>) target_semaphore(%run_scoped3A : memref<!tpu.dma_semaphore, #tpu.memory_space<semaphore_mem>>)
      %dma_wait3A = arith.constant 0 : i32
      %dma_wait3A_20 = arith.constant 0 : i32
      %dma_wait3A_21 = tpu.memref_slice %arg3[%add3A, %dma_wait3A, %dma_wait3A_20] : memref<32x79x128xi32, #tpu.memory_space<hbm>> -> memref<1x79x128xi32, #tpu.memory_space<hbm>>
      %dma_wait3A_22 = tpu.memref_squeeze %dma_wait3A_21 : memref<1x79x128xi32, #tpu.memory_space<hbm>> -> memref<79x128xi32, #tpu.memory_space<hbm>>
      %dma_wait3A_23 = arith.constant 0 : i32
      %dma_wait3A_24 = arith.constant 0 : i32
      %dma_wait3A_25 = tpu.memref_slice %arg3[%add3A, %dma_wait3A_23, %dma_wait3A_24] : memref<32x79x128xi32, #tpu.memory_space<hbm>> -> memref<1x79x128xi32, #tpu.memory_space<hbm>>
      %dma_wait3A_26 = tpu.memref_squeeze %dma_wait3A_25 : memref<1x79x128xi32, #tpu.memory_space<hbm>> -> memref<79x128xi32, #tpu.memory_space<hbm>>
      tpu.wait_dma2 semaphore(%run_scoped3A : memref<!tpu.dma_semaphore, #tpu.memory_space<semaphore_mem>>) src(%dma_wait3A_26 : memref<79x128xi32, #tpu.memory_space<hbm>>) dst(%arg8 : memref<79x128xi32, #tpu.memory_space<vmem>>)
      tpu.yield
    }) : () -> ()
    %barrier3A = arith.constant 0 : index
    tpu.barrier barrier_id(%barrier3A)
    %scan3A = arith.constant 0 : i32
    %scan3A_3 = arith.constant 0 : i32
    %scan3A_4 = arith.constant 79 : i32
    %scan3A_5 = arith.addi %scan3A_3, %scan3A_4 : i32
    %scan3A_6 = arith.constant 1 : i32
    scf.for %scan3A_13 = %scan3A_3 to %scan3A_5 step %scan3A_6  : i32 {
      %dma_start3A = arith.constant 0 : i32
      %dma_start3A_14 = tpu.memref_slice %arg7[%scan3A_13, %dma_start3A] : memref<79x128xi32, #tpu.memory_space<vmem>> -> memref<1x128xi32, #tpu.memory_space<vmem>>
      %dma_start3A_15 = tpu.memref_squeeze %dma_start3A_14 : memref<1x128xi32, #tpu.memory_space<vmem>> -> memref<128xi32, #tpu.memory_space<vmem>>
      %dma_start3A_16 = arith.constant 0 : i32
      %dma_start3A_17 = arith.constant 0 : i32
      %dma_start3A_18 = tpu.memref_slice %arg4[%dma_start3A_16, %dma_start3A_17] : memref<30000x128xf32, #tpu.memory_space<hbm>> -> memref<30000x128xf32, #tpu.memory_space<hbm>>
      tpu.enqueue_indirect_dma source(%dma_start3A_18 : memref<30000x128xf32, #tpu.memory_space<hbm>>) target(%arg9 : memref<128x128xf32, #tpu.memory_space<vmem>>) offsets(%dma_start3A_15 : memref<128xi32, #tpu.memory_space<vmem>>) semaphore(%arg11 : memref<!tpu.dma_semaphore, #tpu.memory_space<semaphore_mem>>)
      %dma_wait3A = arith.constant 0 : i32
      %dma_wait3A_19 = tpu.memref_slice %arg7[%scan3A_13, %dma_wait3A] : memref<79x128xi32, #tpu.memory_space<vmem>> -> memref<1x128xi32, #tpu.memory_space<vmem>>
      %dma_wait3A_20 = tpu.memref_squeeze %dma_wait3A_19 : memref<1x128xi32, #tpu.memory_space<vmem>> -> memref<128xi32, #tpu.memory_space<vmem>>
      %dma_wait3A_21 = arith.constant 0 : i32
      %dma_wait3A_22 = arith.constant 0 : i32
      %dma_wait3A_23 = tpu.memref_slice %arg4[%dma_wait3A_21, %dma_wait3A_22] : memref<30000x128xf32, #tpu.memory_space<hbm>> -> memref<30000x128xf32, #tpu.memory_space<hbm>>
      tpu.wait_indirect_dma semaphore(%arg11 : memref<!tpu.dma_semaphore, #tpu.memory_space<semaphore_mem>>) src(%dma_wait3A_23 : memref<30000x128xf32, #tpu.memory_space<hbm>>) dst(%arg9 : memref<128x128xf32, #tpu.memory_space<vmem>>)
      "tpu.region"() ({
        %run_scoped3A = tpu.sem_alloc : memref<!tpu.dma_semaphore, #tpu.memory_space<semaphore_mem>>
        %dma_start3A_24 = arith.constant 0 : i32
        %dma_start3A_25 = tpu.memref_slice %arg8[%scan3A_13, %dma_start3A_24] : memref<79x128xi32, #tpu.memory_space<vmem>> -> memref<1x128xi32, #tpu.memory_space<vmem>>
        %dma_start3A_26 = tpu.memref_squeeze %dma_start3A_25 : memref<1x128xi32, #tpu.memory_space<vmem>> -> memref<128xi32, #tpu.memory_space<vmem>>
        %dma_start3A_27 = arith.constant 0 : i32
        %dma_start3A_28 = arith.constant 0 : i32
        %dma_start3A_29 = tpu.memref_slice %arg10[%dma_start3A_27, %dma_start3A_28] : memref<10112x128xf32, #tpu.memory_space<vmem_shared>> -> memref<10112x128xf32, #tpu.memory_space<vmem_shared>>
        tpu.enqueue_indirect_dma source(%arg9 : memref<128x128xf32, #tpu.memory_space<vmem>>) target(%dma_start3A_29 : memref<10112x128xf32, #tpu.memory_space<vmem_shared>>) offsets(%dma_start3A_26 : memref<128xi32, #tpu.memory_space<vmem>>) semaphore(%run_scoped3A : memref<!tpu.dma_semaphore, #tpu.memory_space<semaphore_mem>>) {add = true}
        %dma_wait3A_30 = arith.constant 0 : i32
        %dma_wait3A_31 = tpu.memref_slice %arg8[%scan3A_13, %dma_wait3A_30] : memref<79x128xi32, #tpu.memory_space<vmem>> -> memref<1x128xi32, #tpu.memory_space<vmem>>
        %dma_wait3A_32 = tpu.memref_squeeze %dma_wait3A_31 : memref<1x128xi32, #tpu.memory_space<vmem>> -> memref<128xi32, #tpu.memory_space<vmem>>
        %dma_wait3A_33 = arith.constant 0 : i32
        %dma_wait3A_34 = arith.constant 0 : i32
        %dma_wait3A_35 = tpu.memref_slice %arg10[%dma_wait3A_33, %dma_wait3A_34] : memref<10112x128xf32, #tpu.memory_space<vmem_shared>> -> memref<10112x128xf32, #tpu.memory_space<vmem_shared>>
        tpu.wait_indirect_dma semaphore(%run_scoped3A : memref<!tpu.dma_semaphore, #tpu.memory_space<semaphore_mem>>) src(%arg9 : memref<128x128xf32, #tpu.memory_space<vmem>>) dst(%dma_wait3A_35 : memref<10112x128xf32, #tpu.memory_space<vmem_shared>>)
        tpu.yield
      }) : () -> ()
    }
    %scan3A_7 = arith.constant 79 : i32
    %barrier3A_8 = arith.constant 0 : index
    tpu.barrier barrier_id(%barrier3A_8)
    %mul3A_9 = arith.constant 632 : i32
    %mul3A_10 = arith.muli %arg1, %mul3A_9 : i32
    %mul3A_11 = arith.constant 632 : i32
    %mul3A_12 = arith.muli %arg1, %mul3A_11 : i32
    "tpu.region"() ({
      %run_scoped3A = tpu.sem_alloc : memref<!tpu.dma_semaphore, #tpu.memory_space<semaphore_mem>>
      %dma_start3A = arith.constant 0 : i32
      %dma_start3A_13 = tpu.memref_slice %arg6[%arg0, %mul3A_12, %dma_start3A] : memref<2x10112x128xf32, #tpu.memory_space<hbm>> -> memref<1x632x128xf32, #tpu.memory_space<hbm>>
      %dma_start3A_14 = tpu.memref_squeeze %dma_start3A_13 : memref<1x632x128xf32, #tpu.memory_space<hbm>> -> memref<632x128xf32, #tpu.memory_space<hbm>>
      %dma_start3A_15 = arith.constant 0 : i32
      %dma_start3A_16 = tpu.memref_slice %arg10[%mul3A_10, %dma_start3A_15] : memref<10112x128xf32, #tpu.memory_space<vmem_shared>> -> memref<632x128xf32, #tpu.memory_space<vmem_shared>>
      tpu.enqueue_dma source(%dma_start3A_16 : memref<632x128xf32, #tpu.memory_space<vmem_shared>>) target(%dma_start3A_14 : memref<632x128xf32, #tpu.memory_space<hbm>>) target_semaphore(%run_scoped3A : memref<!tpu.dma_semaphore, #tpu.memory_space<semaphore_mem>>)
      %dma_wait3A = arith.constant 0 : i32
      %dma_wait3A_17 = tpu.memref_slice %arg6[%arg0, %mul3A_12, %dma_wait3A] : memref<2x10112x128xf32, #tpu.memory_space<hbm>> -> memref<1x632x128xf32, #tpu.memory_space<hbm>>
      %dma_wait3A_18 = tpu.memref_squeeze %dma_wait3A_17 : memref<1x632x128xf32, #tpu.memory_space<hbm>> -> memref<632x128xf32, #tpu.memory_space<hbm>>
      %dma_wait3A_19 = arith.constant 0 : i32
      %dma_wait3A_20 = tpu.memref_slice %arg10[%mul3A_10, %dma_wait3A_19] : memref<10112x128xf32, #tpu.memory_space<vmem_shared>> -> memref<632x128xf32, #tpu.memory_space<vmem_shared>>
      tpu.wait_dma2 semaphore(%run_scoped3A : memref<!tpu.dma_semaphore, #tpu.memory_space<semaphore_mem>>) src(%dma_wait3A_20 : memref<632x128xf32, #tpu.memory_space<vmem_shared>>) dst(%dma_wait3A_18 : memref<632x128xf32, #tpu.memory_space<hbm>>)
      tpu.yield
    }) : () -> ()
    return
  }
}

#map = affine_map<(d0, d1) -> (0, 0, 0)>
#map1 = affine_map<(d0, d1) -> (0, 0)>
module attributes {stable_mosaic.version = 14 : i64} {
  func.func @_edge_body(%arg0: i32, %arg1: i32, %arg2: memref<32x79x128xi32, #tpu.memory_space<hbm>>, %arg3: memref<32x79x128xi32, #tpu.memory_space<hbm>>, %arg4: memref<30000x128xf32, #tpu.memory_space<hbm>>, %arg5: memref<632x128xf32, #tpu.memory_space<hbm>>, %arg6: memref<2x10112x128xf32, #tpu.memory_space<hbm>>, %arg7: memref<79x128xi32, #tpu.memory_space<vmem>>, %arg8: memref<79x128xi32, #tpu.memory_space<vmem>>, %arg9: memref<128x128xf32, #tpu.memory_space<vmem>>, %arg10: memref<10112x128xf32, #tpu.memory_space<vmem_shared>>, %arg11: memref<!tpu.dma_semaphore, #tpu.memory_space<semaphore_mem>>) attributes {dimension_semantics = [#tpu.dimension_semantics<core_parallel>, #tpu.dimension_semantics<subcore_parallel>], iteration_bounds = array<i64: 2, 16>, scalar_prefetch = 0 : i64, scratch_operands = 5 : i64, tpu.core_type = #tpu.core_type<sc_vector_subcore>, window_params = [{transform_indices = #map}, {transform_indices = #map}, {transform_indices = #map1}, {transform_indices = #map1}, {transform_indices = #map}]} {
    %mul3A = arith.constant 2 : i32
    %mul3A_0 = arith.muli %arg1, %mul3A : i32
    %add3A = arith.addi %mul3A_0, %arg0 : i32
    %mul3A_1 = arith.constant 632 : i32
    %mul3A_2 = arith.muli %arg1, %mul3A_1 : i32
    "tpu.region"() ({
      %run_scoped3A = tpu.sem_alloc : memref<!tpu.dma_semaphore, #tpu.memory_space<semaphore_mem>>
      %dma_start3A = arith.constant 0 : i32
      %dma_start3A_13 = tpu.memref_slice %arg10[%mul3A_2, %dma_start3A] : memref<10112x128xf32, #tpu.memory_space<vmem_shared>> -> memref<632x128xf32, #tpu.memory_space<vmem_shared>>
      tpu.enqueue_dma source(%arg5 : memref<632x128xf32, #tpu.memory_space<hbm>>) target(%dma_start3A_13 : memref<632x128xf32, #tpu.memory_space<vmem_shared>>) target_semaphore(%run_scoped3A : memref<!tpu.dma_semaphore, #tpu.memory_space<semaphore_mem>>)
      %dma_wait3A = arith.constant 0 : i32
      %dma_wait3A_14 = tpu.memref_slice %arg10[%mul3A_2, %dma_wait3A] : memref<10112x128xf32, #tpu.memory_space<vmem_shared>> -> memref<632x128xf32, #tpu.memory_space<vmem_shared>>
      tpu.wait_dma2 semaphore(%run_scoped3A : memref<!tpu.dma_semaphore, #tpu.memory_space<semaphore_mem>>) src(%arg5 : memref<632x128xf32, #tpu.memory_space<hbm>>) dst(%dma_wait3A_14 : memref<632x128xf32, #tpu.memory_space<vmem_shared>>)
      tpu.yield
    }) : () -> ()
    "tpu.region"() ({
      %run_scoped3A = tpu.sem_alloc : memref<!tpu.dma_semaphore, #tpu.memory_space<semaphore_mem>>
      %dma_start3A = arith.constant 0 : i32
      %dma_start3A_13 = arith.constant 0 : i32
      %dma_start3A_14 = tpu.memref_slice %arg2[%add3A, %dma_start3A, %dma_start3A_13] : memref<32x79x128xi32, #tpu.memory_space<hbm>> -> memref<1x79x128xi32, #tpu.memory_space<hbm>>
      %dma_start3A_15 = tpu.memref_squeeze %dma_start3A_14 : memref<1x79x128xi32, #tpu.memory_space<hbm>> -> memref<79x128xi32, #tpu.memory_space<hbm>>
      %dma_start3A_16 = arith.constant 0 : i32
      %dma_start3A_17 = arith.constant 0 : i32
      %dma_start3A_18 = tpu.memref_slice %arg2[%add3A, %dma_start3A_16, %dma_start3A_17] : memref<32x79x128xi32, #tpu.memory_space<hbm>> -> memref<1x79x128xi32, #tpu.memory_space<hbm>>
      %dma_start3A_19 = tpu.memref_squeeze %dma_start3A_18 : memref<1x79x128xi32, #tpu.memory_space<hbm>> -> memref<79x128xi32, #tpu.memory_space<hbm>>
      tpu.enqueue_dma source(%dma_start3A_19 : memref<79x128xi32, #tpu.memory_space<hbm>>) target(%arg7 : memref<79x128xi32, #tpu.memory_space<vmem>>) target_semaphore(%run_scoped3A : memref<!tpu.dma_semaphore, #tpu.memory_space<semaphore_mem>>)
      %dma_wait3A = arith.constant 0 : i32
      %dma_wait3A_20 = arith.constant 0 : i32
      %dma_wait3A_21 = tpu.memref_slice %arg2[%add3A, %dma_wait3A, %dma_wait3A_20] : memref<32x79x128xi32, #tpu.memory_space<hbm>> -> memref<1x79x128xi32, #tpu.memory_space<hbm>>
      %dma_wait3A_22 = tpu.memref_squeeze %dma_wait3A_21 : memref<1x79x128xi32, #tpu.memory_space<hbm>> -> memref<79x128xi32, #tpu.memory_space<hbm>>
      %dma_wait3A_23 = arith.constant 0 : i32
      %dma_wait3A_24 = arith.constant 0 : i32
      %dma_wait3A_25 = tpu.memref_slice %arg2[%add3A, %dma_wait3A_23, %dma_wait3A_24] : memref<32x79x128xi32, #tpu.memory_space<hbm>> -> memref<1x79x128xi32, #tpu.memory_space<hbm>>
      %dma_wait3A_26 = tpu.memref_squeeze %dma_wait3A_25 : memref<1x79x128xi32, #tpu.memory_space<hbm>> -> memref<79x128xi32, #tpu.memory_space<hbm>>
      tpu.wait_dma2 semaphore(%run_scoped3A : memref<!tpu.dma_semaphore, #tpu.memory_space<semaphore_mem>>) src(%dma_wait3A_26 : memref<79x128xi32, #tpu.memory_space<hbm>>) dst(%arg7 : memref<79x128xi32, #tpu.memory_space<vmem>>)
      tpu.yield
    }) : () -> ()
    "tpu.region"() ({
      %run_scoped3A = tpu.sem_alloc : memref<!tpu.dma_semaphore, #tpu.memory_space<semaphore_mem>>
      %dma_start3A = arith.constant 0 : i32
      %dma_start3A_13 = arith.constant 0 : i32
      %dma_start3A_14 = tpu.memref_slice %arg3[%add3A, %dma_start3A, %dma_start3A_13] : memref<32x79x128xi32, #tpu.memory_space<hbm>> -> memref<1x79x128xi32, #tpu.memory_space<hbm>>
      %dma_start3A_15 = tpu.memref_squeeze %dma_start3A_14 : memref<1x79x128xi32, #tpu.memory_space<hbm>> -> memref<79x128xi32, #tpu.memory_space<hbm>>
      %dma_start3A_16 = arith.constant 0 : i32
      %dma_start3A_17 = arith.constant 0 : i32
      %dma_start3A_18 = tpu.memref_slice %arg3[%add3A, %dma_start3A_16, %dma_start3A_17] : memref<32x79x128xi32, #tpu.memory_space<hbm>> -> memref<1x79x128xi32, #tpu.memory_space<hbm>>
      %dma_start3A_19 = tpu.memref_squeeze %dma_start3A_18 : memref<1x79x128xi32, #tpu.memory_space<hbm>> -> memref<79x128xi32, #tpu.memory_space<hbm>>
      tpu.enqueue_dma source(%dma_start3A_19 : memref<79x128xi32, #tpu.memory_space<hbm>>) target(%arg8 : memref<79x128xi32, #tpu.memory_space<vmem>>) target_semaphore(%run_scoped3A : memref<!tpu.dma_semaphore, #tpu.memory_space<semaphore_mem>>)
      %dma_wait3A = arith.constant 0 : i32
      %dma_wait3A_20 = arith.constant 0 : i32
      %dma_wait3A_21 = tpu.memref_slice %arg3[%add3A, %dma_wait3A, %dma_wait3A_20] : memref<32x79x128xi32, #tpu.memory_space<hbm>> -> memref<1x79x128xi32, #tpu.memory_space<hbm>>
      %dma_wait3A_22 = tpu.memref_squeeze %dma_wait3A_21 : memref<1x79x128xi32, #tpu.memory_space<hbm>> -> memref<79x128xi32, #tpu.memory_space<hbm>>
      %dma_wait3A_23 = arith.constant 0 : i32
      %dma_wait3A_24 = arith.constant 0 : i32
      %dma_wait3A_25 = tpu.memref_slice %arg3[%add3A, %dma_wait3A_23, %dma_wait3A_24] : memref<32x79x128xi32, #tpu.memory_space<hbm>> -> memref<1x79x128xi32, #tpu.memory_space<hbm>>
      %dma_wait3A_26 = tpu.memref_squeeze %dma_wait3A_25 : memref<1x79x128xi32, #tpu.memory_space<hbm>> -> memref<79x128xi32, #tpu.memory_space<hbm>>
      tpu.wait_dma2 semaphore(%run_scoped3A : memref<!tpu.dma_semaphore, #tpu.memory_space<semaphore_mem>>) src(%dma_wait3A_26 : memref<79x128xi32, #tpu.memory_space<hbm>>) dst(%arg8 : memref<79x128xi32, #tpu.memory_space<vmem>>)
      tpu.yield
    }) : () -> ()
    %barrier3A = arith.constant 0 : index
    tpu.barrier barrier_id(%barrier3A)
    %scan3A = arith.constant 0 : i32
    %scan3A_3 = arith.constant 0 : i32
    %scan3A_4 = arith.constant 79 : i32
    %scan3A_5 = arith.addi %scan3A_3, %scan3A_4 : i32
    %scan3A_6 = arith.constant 1 : i32
    scf.for %scan3A_13 = %scan3A_3 to %scan3A_5 step %scan3A_6  : i32 {
      %dma_start3A = arith.constant 0 : i32
      %dma_start3A_14 = tpu.memref_slice %arg7[%scan3A_13, %dma_start3A] : memref<79x128xi32, #tpu.memory_space<vmem>> -> memref<1x128xi32, #tpu.memory_space<vmem>>
      %dma_start3A_15 = tpu.memref_squeeze %dma_start3A_14 : memref<1x128xi32, #tpu.memory_space<vmem>> -> memref<128xi32, #tpu.memory_space<vmem>>
      %dma_start3A_16 = arith.constant 0 : i32
      %dma_start3A_17 = arith.constant 0 : i32
      %dma_start3A_18 = tpu.memref_slice %arg4[%dma_start3A_16, %dma_start3A_17] : memref<30000x128xf32, #tpu.memory_space<hbm>> -> memref<30000x128xf32, #tpu.memory_space<hbm>>
      tpu.enqueue_indirect_dma source(%dma_start3A_18 : memref<30000x128xf32, #tpu.memory_space<hbm>>) target(%arg9 : memref<128x128xf32, #tpu.memory_space<vmem>>) offsets(%dma_start3A_15 : memref<128xi32, #tpu.memory_space<vmem>>) semaphore(%arg11 : memref<!tpu.dma_semaphore, #tpu.memory_space<semaphore_mem>>)
      %dma_wait3A = arith.constant 0 : i32
      %dma_wait3A_19 = tpu.memref_slice %arg7[%scan3A_13, %dma_wait3A] : memref<79x128xi32, #tpu.memory_space<vmem>> -> memref<1x128xi32, #tpu.memory_space<vmem>>
      %dma_wait3A_20 = tpu.memref_squeeze %dma_wait3A_19 : memref<1x128xi32, #tpu.memory_space<vmem>> -> memref<128xi32, #tpu.memory_space<vmem>>
      %dma_wait3A_21 = arith.constant 0 : i32
      %dma_wait3A_22 = arith.constant 0 : i32
      %dma_wait3A_23 = tpu.memref_slice %arg4[%dma_wait3A_21, %dma_wait3A_22] : memref<30000x128xf32, #tpu.memory_space<hbm>> -> memref<30000x128xf32, #tpu.memory_space<hbm>>
      tpu.wait_indirect_dma semaphore(%arg11 : memref<!tpu.dma_semaphore, #tpu.memory_space<semaphore_mem>>) src(%dma_wait3A_23 : memref<30000x128xf32, #tpu.memory_space<hbm>>) dst(%arg9 : memref<128x128xf32, #tpu.memory_space<vmem>>)
      "tpu.region"() ({
        %run_scoped3A = tpu.sem_alloc : memref<!tpu.dma_semaphore, #tpu.memory_space<semaphore_mem>>
        %dma_start3A_24 = arith.constant 0 : i32
        %dma_start3A_25 = tpu.memref_slice %arg8[%scan3A_13, %dma_start3A_24] : memref<79x128xi32, #tpu.memory_space<vmem>> -> memref<1x128xi32, #tpu.memory_space<vmem>>
        %dma_start3A_26 = tpu.memref_squeeze %dma_start3A_25 : memref<1x128xi32, #tpu.memory_space<vmem>> -> memref<128xi32, #tpu.memory_space<vmem>>
        %dma_start3A_27 = arith.constant 0 : i32
        %dma_start3A_28 = arith.constant 0 : i32
        %dma_start3A_29 = tpu.memref_slice %arg10[%dma_start3A_27, %dma_start3A_28] : memref<10112x128xf32, #tpu.memory_space<vmem_shared>> -> memref<10112x128xf32, #tpu.memory_space<vmem_shared>>
        tpu.enqueue_indirect_dma source(%arg9 : memref<128x128xf32, #tpu.memory_space<vmem>>) target(%dma_start3A_29 : memref<10112x128xf32, #tpu.memory_space<vmem_shared>>) offsets(%dma_start3A_26 : memref<128xi32, #tpu.memory_space<vmem>>) semaphore(%run_scoped3A : memref<!tpu.dma_semaphore, #tpu.memory_space<semaphore_mem>>) {add = true}
        %dma_wait3A_30 = arith.constant 0 : i32
        %dma_wait3A_31 = tpu.memref_slice %arg8[%scan3A_13, %dma_wait3A_30] : memref<79x128xi32, #tpu.memory_space<vmem>> -> memref<1x128xi32, #tpu.memory_space<vmem>>
        %dma_wait3A_32 = tpu.memref_squeeze %dma_wait3A_31 : memref<1x128xi32, #tpu.memory_space<vmem>> -> memref<128xi32, #tpu.memory_space<vmem>>
        %dma_wait3A_33 = arith.constant 0 : i32
        %dma_wait3A_34 = arith.constant 0 : i32
        %dma_wait3A_35 = tpu.memref_slice %arg10[%dma_wait3A_33, %dma_wait3A_34] : memref<10112x128xf32, #tpu.memory_space<vmem_shared>> -> memref<10112x128xf32, #tpu.memory_space<vmem_shared>>
        tpu.wait_indirect_dma semaphore(%run_scoped3A : memref<!tpu.dma_semaphore, #tpu.memory_space<semaphore_mem>>) src(%arg9 : memref<128x128xf32, #tpu.memory_space<vmem>>) dst(%dma_wait3A_35 : memref<10112x128xf32, #tpu.memory_space<vmem_shared>>)
        tpu.yield
      }) : () -> ()
    }
    %scan3A_7 = arith.constant 79 : i32
    %barrier3A_8 = arith.constant 0 : index
    tpu.barrier barrier_id(%barrier3A_8)
    %mul3A_9 = arith.constant 632 : i32
    %mul3A_10 = arith.muli %arg1, %mul3A_9 : i32
    %mul3A_11 = arith.constant 632 : i32
    %mul3A_12 = arith.muli %arg1, %mul3A_11 : i32
    "tpu.region"() ({
      %run_scoped3A = tpu.sem_alloc : memref<!tpu.dma_semaphore, #tpu.memory_space<semaphore_mem>>
      %dma_start3A = arith.constant 0 : i32
      %dma_start3A_13 = tpu.memref_slice %arg6[%arg0, %mul3A_12, %dma_start3A] : memref<2x10112x128xf32, #tpu.memory_space<hbm>> -> memref<1x632x128xf32, #tpu.memory_space<hbm>>
      %dma_start3A_14 = tpu.memref_squeeze %dma_start3A_13 : memref<1x632x128xf32, #tpu.memory_space<hbm>> -> memref<632x128xf32, #tpu.memory_space<hbm>>
      %dma_start3A_15 = arith.constant 0 : i32
      %dma_start3A_16 = tpu.memref_slice %arg10[%mul3A_10, %dma_start3A_15] : memref<10112x128xf32, #tpu.memory_space<vmem_shared>> -> memref<632x128xf32, #tpu.memory_space<vmem_shared>>
      tpu.enqueue_dma source(%dma_start3A_16 : memref<632x128xf32, #tpu.memory_space<vmem_shared>>) target(%dma_start3A_14 : memref<632x128xf32, #tpu.memory_space<hbm>>) target_semaphore(%run_scoped3A : memref<!tpu.dma_semaphore, #tpu.memory_space<semaphore_mem>>)
      %dma_wait3A = arith.constant 0 : i32
      %dma_wait3A_17 = tpu.memref_slice %arg6[%arg0, %mul3A_12, %dma_wait3A] : memref<2x10112x128xf32, #tpu.memory_space<hbm>> -> memref<1x632x128xf32, #tpu.memory_space<hbm>>
      %dma_wait3A_18 = tpu.memref_squeeze %dma_wait3A_17 : memref<1x632x128xf32, #tpu.memory_space<hbm>> -> memref<632x128xf32, #tpu.memory_space<hbm>>
      %dma_wait3A_19 = arith.constant 0 : i32
      %dma_wait3A_20 = tpu.memref_slice %arg10[%mul3A_10, %dma_wait3A_19] : memref<10112x128xf32, #tpu.memory_space<vmem_shared>> -> memref<632x128xf32, #tpu.memory_space<vmem_shared>>
      tpu.wait_dma2 semaphore(%run_scoped3A : memref<!tpu.dma_semaphore, #tpu.memory_space<semaphore_mem>>) src(%dma_wait3A_20 : memref<632x128xf32, #tpu.memory_space<vmem_shared>>) dst(%dma_wait3A_18 : memref<632x128xf32, #tpu.memory_space<hbm>>)
      tpu.yield
    }) : () -> ()
    return
  }
}

module attributes {stable_mosaic.version = 14 : i64} {
  func.func @_transform_body(%arg0: i32, %arg1: memref<400x128xf32, #tpu.memory_space<vmem>>, %arg2: memref<3x128x128xf32, #tpu.memory_space<vmem>>, %arg3: memref<3x128xf32, #tpu.memory_space<vmem>>, %arg4: memref<3x400x128xf32, #tpu.memory_space<vmem>>) attributes {dimension_semantics = [#tpu.dimension_semantics<arbitrary>], iteration_bounds = array<i64: 25>, scalar_prefetch = 0 : i64, scratch_operands = 0 : i64, tpu.core_type = #tpu.core_type<tc>, window_params = [{transform_indices = @transform_0, window_bounds = array<i64: 400, 128>}, {pipeline_mode = #tpu.pipeline_mode<synchronous>, transform_indices = @transform_1, window_bounds = array<i64: 3, 128, 128>}, {pipeline_mode = #tpu.pipeline_mode<synchronous>, transform_indices = @transform_2, window_bounds = array<i64: 3, 128>}, {transform_indices = @transform_3, window_bounds = array<i64: 3, 400, 128>}]} {
    %get3A = arith.constant 0 : index
    %get3A_0 = arith.constant 0 : index
    %get3A_1 = vector.load %arg1[%get3A, %get3A_0] : memref<400x128xf32, #tpu.memory_space<vmem>>, vector<400x128xf32>
    %get3A_2 = arith.constant 0 : index
    %get3A_3 = arith.constant 0 : index
    %get3A_4 = arith.constant 0 : index
    %get3A_5 = vector.load %arg2[%get3A_2, %get3A_3, %get3A_4] : memref<3x128x128xf32, #tpu.memory_space<vmem>>, vector<3x128x128xf32>
    %get3A_6 = arith.constant 0 : index
    %get3A_7 = arith.constant 0 : index
    %get3A_8 = vector.load %arg3[%get3A_6, %get3A_7] : memref<3x128xf32, #tpu.memory_space<vmem>>, vector<3x128xf32>
    %slice3A = vector.extract_strided_slice %get3A_5 {offsets = [0, 0, 0], sizes = [1, 128, 128], strides = [1, 1, 1]} : vector<3x128x128xf32> to vector<1x128x128xf32>
    %squeeze3A = vector.shape_cast %slice3A : vector<1x128x128xf32> to vector<128x128xf32>
    %dot_general3A = arith.constant dense<0.000000e+00> : vector<400x128xf32>
    %dot_general3A_9 = tpu.matmul %get3A_1, %squeeze3A, %dot_general3A {dimension_numbers = #tpu.dot_dimension_numbers<[1], [1], [0], [0], [0, 0, 1, 0], [], []>, transpose_lhs_hint = false} : vector<400x128xf32>, vector<128x128xf32>, vector<400x128xf32> -> vector<400x128xf32>
    %slice3A_10 = vector.extract_strided_slice %get3A_8 {offsets = [0, 0], sizes = [1, 128], strides = [1, 1]} : vector<3x128xf32> to vector<1x128xf32>
    %squeeze3A_11 = vector.shape_cast %slice3A_10 : vector<1x128xf32> to vector<128xf32>
    %broadcast_in_dim3A = vector.shape_cast %squeeze3A_11 : vector<128xf32> to vector<1x128xf32>
    %add3A = vector.broadcast %broadcast_in_dim3A : vector<1x128xf32> to vector<400x128xf32>
    %add3A_12 = arith.addf %dot_general3A_9, %add3A : vector<400x128xf32>
    %swap3A = arith.constant 0 : index
    %swap3A_13 = arith.constant 0 : index
    %swap3A_14 = arith.constant 0 : index
    %swap3A_15 = vector.load %arg4[%swap3A, %swap3A_13, %swap3A_14] : memref<3x400x128xf32, #tpu.memory_space<vmem>>, vector<1x400x128xf32>
    %swap3A_16 = vector.shape_cast %swap3A_15 : vector<1x400x128xf32> to vector<400x128xf32>
    %swap3A_17 = vector.shape_cast %add3A_12 : vector<400x128xf32> to vector<1x400x128xf32>
    tpu.vector_store %arg4[%swap3A, %swap3A_13, %swap3A_14], %swap3A_17 {strides = array<i32>} : memref<3x400x128xf32, #tpu.memory_space<vmem>>, vector<1x400x128xf32>,
    %slice3A_18 = vector.extract_strided_slice %get3A_5 {offsets = [1, 0, 0], sizes = [1, 128, 128], strides = [1, 1, 1]} : vector<3x128x128xf32> to vector<1x128x128xf32>
    %squeeze3A_19 = vector.shape_cast %slice3A_18 : vector<1x128x128xf32> to vector<128x128xf32>
    %dot_general3A_20 = arith.constant dense<0.000000e+00> : vector<400x128xf32>
    %dot_general3A_21 = tpu.matmul %get3A_1, %squeeze3A_19, %dot_general3A_20 {dimension_numbers = #tpu.dot_dimension_numbers<[1], [1], [0], [0], [0, 0, 1, 0], [], []>, transpose_lhs_hint = false} : vector<400x128xf32>, vector<128x128xf32>, vector<400x128xf32> -> vector<400x128xf32>
    %slice3A_22 = vector.extract_strided_slice %get3A_8 {offsets = [1, 0], sizes = [1, 128], strides = [1, 1]} : vector<3x128xf32> to vector<1x128xf32>
    %squeeze3A_23 = vector.shape_cast %slice3A_22 : vector<1x128xf32> to vector<128xf32>
    %broadcast_in_dim3A_24 = vector.shape_cast %squeeze3A_23 : vector<128xf32> to vector<1x128xf32>
    %add3A_25 = vector.broadcast %broadcast_in_dim3A_24 : vector<1x128xf32> to vector<400x128xf32>
    %add3A_26 = arith.addf %dot_general3A_21, %add3A_25 : vector<400x128xf32>
    %swap3A_27 = arith.constant 1 : index
    %swap3A_28 = arith.constant 0 : index
    %swap3A_29 = arith.constant 0 : index
    %swap3A_30 = vector.load %arg4[%swap3A_27, %swap3A_28, %swap3A_29] : memref<3x400x128xf32, #tpu.memory_space<vmem>>, vector<1x400x128xf32>
    %swap3A_31 = vector.shape_cast %swap3A_30 : vector<1x400x128xf32> to vector<400x128xf32>
    %swap3A_32 = vector.shape_cast %add3A_26 : vector<400x128xf32> to vector<1x400x128xf32>
    tpu.vector_store %arg4[%swap3A_27, %swap3A_28, %swap3A_29], %swap3A_32 {strides = array<i32>} : memref<3x400x128xf32, #tpu.memory_space<vmem>>, vector<1x400x128xf32>,
    %slice3A_33 = vector.extract_strided_slice %get3A_5 {offsets = [2, 0, 0], sizes = [1, 128, 128], strides = [1, 1, 1]} : vector<3x128x128xf32> to vector<1x128x128xf32>
    %squeeze3A_34 = vector.shape_cast %slice3A_33 : vector<1x128x128xf32> to vector<128x128xf32>
    %dot_general3A_35 = arith.constant dense<0.000000e+00> : vector<400x128xf32>
    %dot_general3A_36 = tpu.matmul %get3A_1, %squeeze3A_34, %dot_general3A_35 {dimension_numbers = #tpu.dot_dimension_numbers<[1], [1], [0], [0], [0, 0, 1, 0], [], []>, transpose_lhs_hint = false} : vector<400x128xf32>, vector<128x128xf32>, vector<400x128xf32> -> vector<400x128xf32>
    %slice3A_37 = vector.extract_strided_slice %get3A_8 {offsets = [2, 0], sizes = [1, 128], strides = [1, 1]} : vector<3x128xf32> to vector<1x128xf32>
    %squeeze3A_38 = vector.shape_cast %slice3A_37 : vector<1x128xf32> to vector<128xf32>
    %broadcast_in_dim3A_39 = vector.shape_cast %squeeze3A_38 : vector<128xf32> to vector<1x128xf32>
    %add3A_40 = vector.broadcast %broadcast_in_dim3A_39 : vector<1x128xf32> to vector<400x128xf32>
    %add3A_41 = arith.addf %dot_general3A_36, %add3A_40 : vector<400x128xf32>
    %swap3A_42 = arith.constant 2 : index
    %swap3A_43 = arith.constant 0 : index
    %swap3A_44 = arith.constant 0 : index
    %swap3A_45 = vector.load %arg4[%swap3A_42, %swap3A_43, %swap3A_44] : memref<3x400x128xf32, #tpu.memory_space<vmem>>, vector<1x400x128xf32>
    %swap3A_46 = vector.shape_cast %swap3A_45 : vector<1x400x128xf32> to vector<400x128xf32>
    %swap3A_47 = vector.shape_cast %add3A_41 : vector<400x128xf32> to vector<1x400x128xf32>
    tpu.vector_store %arg4[%swap3A_42, %swap3A_43, %swap3A_44], %swap3A_47 {strides = array<i32>} : memref<3x400x128xf32, #tpu.memory_space<vmem>>, vector<1x400x128xf32>,
    return
  }
  func.func @transform_0(%arg0: i32) -> (i32, i32) {
    %c0_i32 = arith.constant 0 : i32
    %c0_i32_0 = arith.constant 0 : i32
    return %arg0, %c0_i32 : i32, i32
  }
  func.func @transform_1(%arg0: i32) -> (i32, i32, i32) {
    %c0_i32 = arith.constant 0 : i32
    %c0_i32_0 = arith.constant 0 : i32
    %c0_i32_1 = arith.constant 0 : i32
    %c0_i32_2 = arith.constant 0 : i32
    return %c0_i32, %c0_i32_0, %c0_i32_1 : i32, i32, i32
  }
  func.func @transform_2(%arg0: i32) -> (i32, i32) {
    %c0_i32 = arith.constant 0 : i32
    %c0_i32_0 = arith.constant 0 : i32
    %c0_i32_1 = arith.constant 0 : i32
    return %c0_i32, %c0_i32_0 : i32, i32
  }
  func.func @transform_3(%arg0: i32) -> (i32, i32, i32) {
    %c0_i32 = arith.constant 0 : i32
    %c0_i32_0 = arith.constant 0 : i32
    %c0_i32_1 = arith.constant 0 : i32
    return %c0_i32, %arg0, %c0_i32_0 : i32, i32, i32
  }
}

module attributes {stable_mosaic.version = 14 : i64} {
  func.func @_gru_body(%arg0: i32, %arg1: memref<2x400x128xf32, #tpu.memory_space<vmem>>, %arg2: memref<400x128xf32, #tpu.memory_space<vmem>>, %arg3: memref<384x128xf32, #tpu.memory_space<vmem>>, %arg4: memref<384x128xf32, #tpu.memory_space<vmem>>, %arg5: memref<1x384xf32, #tpu.memory_space<vmem>>, %arg6: memref<1x384xf32, #tpu.memory_space<vmem>>, %arg7: memref<400x128xf32, #tpu.memory_space<vmem>>) attributes {dimension_semantics = [#tpu.dimension_semantics<arbitrary>], iteration_bounds = array<i64: 25>, scalar_prefetch = 0 : i64, scratch_operands = 0 : i64, tpu.core_type = #tpu.core_type<tc>, window_params = [{transform_indices = @transform_0, window_bounds = array<i64: 2, 400, 128>}, {transform_indices = @transform_1, window_bounds = array<i64: 400, 128>}, {pipeline_mode = #tpu.pipeline_mode<synchronous>, transform_indices = @transform_2, window_bounds = array<i64: 384, 128>}, {pipeline_mode = #tpu.pipeline_mode<synchronous>, transform_indices = @transform_3, window_bounds = array<i64: 384, 128>}, {pipeline_mode = #tpu.pipeline_mode<synchronous>, transform_indices = @transform_4, window_bounds = array<i64: 1, 384>}, {pipeline_mode = #tpu.pipeline_mode<synchronous>, transform_indices = @transform_5, window_bounds = array<i64: 1, 384>}, {transform_indices = @transform_6, window_bounds = array<i64: 400, 128>}]} {
    %get3A = arith.constant 0 : index
    %get3A_0 = arith.constant 0 : index
    %get3A_1 = arith.constant 0 : index
    %get3A_2 = vector.load %arg1[%get3A, %get3A_0, %get3A_1] : memref<2x400x128xf32, #tpu.memory_space<vmem>>, vector<1x400x128xf32>
    %get3A_3 = vector.shape_cast %get3A_2 : vector<1x400x128xf32> to vector<400x128xf32>
    %get3A_4 = arith.constant 1 : index
    %get3A_5 = arith.constant 0 : index
    %get3A_6 = arith.constant 0 : index
    %get3A_7 = vector.load %arg1[%get3A_4, %get3A_5, %get3A_6] : memref<2x400x128xf32, #tpu.memory_space<vmem>>, vector<1x400x128xf32>
    %get3A_8 = vector.shape_cast %get3A_7 : vector<1x400x128xf32> to vector<400x128xf32>
    %add3A = arith.addf %get3A_3, %get3A_8 : vector<400x128xf32>
    %get3A_9 = arith.constant 0 : index
    %get3A_10 = arith.constant 0 : index
    %get3A_11 = vector.load %arg2[%get3A_9, %get3A_10] : memref<400x128xf32, #tpu.memory_space<vmem>>, vector<400x128xf32>
    %get3A_12 = arith.constant 0 : index
    %get3A_13 = arith.constant 0 : index
    %get3A_14 = vector.load %arg3[%get3A_12, %get3A_13] : memref<384x128xf32, #tpu.memory_space<vmem>>, vector<384x128xf32>
    %dot_general3A = arith.constant dense<0.000000e+00> : vector<400x384xf32>
    %dot_general3A_15 = tpu.matmul %add3A, %get3A_14, %dot_general3A {dimension_numbers = #tpu.dot_dimension_numbers<[1], [1], [0], [0], [0, 0, 1, 0], [], []>, transpose_lhs_hint = false} : vector<400x128xf32>, vector<384x128xf32>, vector<400x384xf32> -> vector<400x384xf32>
    %get3A_16 = arith.constant 0 : index
    %get3A_17 = arith.constant 0 : index
    %get3A_18 = vector.load %arg5[%get3A_16, %get3A_17] : memref<1x384xf32, #tpu.memory_space<vmem>>, vector<1x384xf32>
    %add3A_19 = vector.broadcast %get3A_18 : vector<1x384xf32> to vector<400x384xf32>
    %add3A_20 = arith.addf %dot_general3A_15, %add3A_19 : vector<400x384xf32>
    %get3A_21 = arith.constant 0 : index
    %get3A_22 = arith.constant 0 : index
    %get3A_23 = vector.load %arg4[%get3A_21, %get3A_22] : memref<384x128xf32, #tpu.memory_space<vmem>>, vector<384x128xf32>
    %dot_general3A_24 = arith.constant dense<0.000000e+00> : vector<400x384xf32>
    %dot_general3A_25 = tpu.matmul %get3A_11, %get3A_23, %dot_general3A_24 {dimension_numbers = #tpu.dot_dimension_numbers<[1], [1], [0], [0], [0, 0, 1, 0], [], []>, transpose_lhs_hint = false} : vector<400x128xf32>, vector<384x128xf32>, vector<400x384xf32> -> vector<400x384xf32>
    %get3A_26 = arith.constant 0 : index
    %get3A_27 = arith.constant 0 : index
    %get3A_28 = vector.load %arg6[%get3A_26, %get3A_27] : memref<1x384xf32, #tpu.memory_space<vmem>>, vector<1x384xf32>
    %add3A_29 = vector.broadcast %get3A_28 : vector<1x384xf32> to vector<400x384xf32>
    %add3A_30 = arith.addf %dot_general3A_25, %add3A_29 : vector<400x384xf32>
    %slice3A = vector.extract_strided_slice %add3A_20 {offsets = [0, 0], sizes = [400, 128], strides = [1, 1]} : vector<400x384xf32> to vector<400x128xf32>
    %slice3A_31 = vector.extract_strided_slice %add3A_20 {offsets = [0, 128], sizes = [400, 128], strides = [1, 1]} : vector<400x384xf32> to vector<400x128xf32>
    %slice3A_32 = vector.extract_strided_slice %add3A_20 {offsets = [0, 256], sizes = [400, 128], strides = [1, 1]} : vector<400x384xf32> to vector<400x128xf32>
    %slice3A_33 = vector.extract_strided_slice %add3A_30 {offsets = [0, 0], sizes = [400, 128], strides = [1, 1]} : vector<400x384xf32> to vector<400x128xf32>
    %slice3A_34 = vector.extract_strided_slice %add3A_30 {offsets = [0, 128], sizes = [400, 128], strides = [1, 1]} : vector<400x384xf32> to vector<400x128xf32>
    %slice3A_35 = vector.extract_strided_slice %add3A_30 {offsets = [0, 256], sizes = [400, 128], strides = [1, 1]} : vector<400x384xf32> to vector<400x128xf32>
    %add3A_36 = arith.addf %slice3A, %slice3A_33 : vector<400x128xf32>
    %logistic3A = arith.negf %add3A_36 : vector<400x128xf32>
    %logistic3A_37 = math.exp %logistic3A : vector<400x128xf32>
    %logistic3A_38 = arith.constant 1.000000e+00 : f32
    %logistic3A_39 = vector.broadcast %logistic3A_38 : f32 to vector<400x128xf32>
    %logistic3A_40 = arith.addf %logistic3A_39, %logistic3A_37 : vector<400x128xf32>
    %logistic3A_41 = arith.divf %logistic3A_39, %logistic3A_40 : vector<400x128xf32>
    %add3A_42 = arith.addf %slice3A_31, %slice3A_34 : vector<400x128xf32>
    %logistic3A_43 = arith.negf %add3A_42 : vector<400x128xf32>
    %logistic3A_44 = math.exp %logistic3A_43 : vector<400x128xf32>
    %logistic3A_45 = arith.constant 1.000000e+00 : f32
    %logistic3A_46 = vector.broadcast %logistic3A_45 : f32 to vector<400x128xf32>
    %logistic3A_47 = arith.addf %logistic3A_46, %logistic3A_44 : vector<400x128xf32>
    %logistic3A_48 = arith.divf %logistic3A_46, %logistic3A_47 : vector<400x128xf32>
    %mul3A = arith.mulf %logistic3A_41, %slice3A_35 : vector<400x128xf32>
    %add3A_49 = arith.addf %slice3A_32, %mul3A : vector<400x128xf32>
    %tanh3A = math.tanh %add3A_49 : vector<400x128xf32>
    %sub3A = arith.constant 1.000000e+00 : f32
    %sub3A_50 = vector.broadcast %sub3A : f32 to vector<400x128xf32>
    %sub3A_51 = arith.subf %sub3A_50, %logistic3A_48 : vector<400x128xf32>
    %mul3A_52 = arith.mulf %sub3A_51, %tanh3A : vector<400x128xf32>
    %mul3A_53 = arith.mulf %logistic3A_48, %get3A_11 : vector<400x128xf32>
    %add3A_54 = arith.addf %mul3A_52, %mul3A_53 : vector<400x128xf32>
    %swap3A = arith.constant 0 : index
    %swap3A_55 = arith.constant 0 : index
    %swap3A_56 = vector.load %arg7[%swap3A, %swap3A_55] : memref<400x128xf32, #tpu.memory_space<vmem>>, vector<400x128xf32>
    tpu.vector_store %arg7[%swap3A, %swap3A_55], %add3A_54 {strides = array<i32>} : memref<400x128xf32, #tpu.memory_space<vmem>>, vector<400x128xf32>,
    return
  }
  func.func @transform_0(%arg0: i32) -> (i32, i32, i32) {
    %c0_i32 = arith.constant 0 : i32
    %c0_i32_0 = arith.constant 0 : i32
    %c0_i32_1 = arith.constant 0 : i32
    return %c0_i32, %arg0, %c0_i32_0 : i32, i32, i32
  }
  func.func @transform_1(%arg0: i32) -> (i32, i32) {
    %c0_i32 = arith.constant 0 : i32
    %c0_i32_0 = arith.constant 0 : i32
    return %arg0, %c0_i32 : i32, i32
  }
  func.func @transform_2(%arg0: i32) -> (i32, i32) {
    %c0_i32 = arith.constant 0 : i32
    %c0_i32_0 = arith.constant 0 : i32
    %c0_i32_1 = arith.constant 0 : i32
    return %c0_i32, %c0_i32_0 : i32, i32
  }
  func.func @transform_3(%arg0: i32) -> (i32, i32) {
    %c0_i32 = arith.constant 0 : i32
    %c0_i32_0 = arith.constant 0 : i32
    %c0_i32_1 = arith.constant 0 : i32
    return %c0_i32, %c0_i32_0 : i32, i32
  }
  func.func @transform_4(%arg0: i32) -> (i32, i32) {
    %c0_i32 = arith.constant 0 : i32
    %c0_i32_0 = arith.constant 0 : i32
    %c0_i32_1 = arith.constant 0 : i32
    return %c0_i32, %c0_i32_0 : i32, i32
  }
  func.func @transform_5(%arg0: i32) -> (i32, i32) {
    %c0_i32 = arith.constant 0 : i32
    %c0_i32_0 = arith.constant 0 : i32
    %c0_i32_1 = arith.constant 0 : i32
    return %c0_i32, %c0_i32_0 : i32, i32
  }
  func.func @transform_6(%arg0: i32) -> (i32, i32) {
    %c0_i32 = arith.constant 0 : i32
    %c0_i32_0 = arith.constant 0 : i32
    return %arg0, %c0_i32 : i32, i32
  }
}

module attributes {stable_mosaic.version = 14 : i64} {
  func.func @_pool_body(%arg0: memref<10000x128xf32, #tpu.memory_space<vmem>>, %arg1: memref<1x128xf32, #tpu.memory_space<vmem>>, %arg2: memref<1x1xf32, #tpu.memory_space<vmem>>, %arg3: memref<1x128xf32, #tpu.memory_space<vmem>>) attributes {dimension_semantics = [], scalar_prefetch = 0 : i64, scratch_operands = 0 : i64, tpu.core_type = #tpu.core_type<tc>} {
    %get3A = arith.constant 0 : index
    %get3A_0 = arith.constant 0 : index
    %get3A_1 = vector.load %arg0[%get3A, %get3A_0] : memref<10000x128xf32, #tpu.memory_space<vmem>>, vector<10000x128xf32>
    %get3A_2 = arith.constant 0 : index
    %get3A_3 = arith.constant 0 : index
    %get3A_4 = vector.load %arg1[%get3A_2, %get3A_3] : memref<1x128xf32, #tpu.memory_space<vmem>>, vector<1x128xf32>
    %dot_general3A = arith.constant dense<0.000000e+00> : vector<1x10000xf32>
    %dot_general3A_5 = tpu.matmul %get3A_4, %get3A_1, %dot_general3A {dimension_numbers = #tpu.dot_dimension_numbers<[1], [1], [0], [0], [0, 0, 1, 0], [], []>, transpose_lhs_hint = false} : vector<1x128xf32>, vector<10000x128xf32>, vector<1x10000xf32> -> vector<1x10000xf32>
    %get3A_6 = arith.constant 0 : index
    %get3A_7 = arith.constant 0 : index
    %get3A_8 = vector.load %arg2[%get3A_6, %get3A_7] : memref<1x1xf32, #tpu.memory_space<vmem>>, vector<1x1xf32>
    %get3A_9 = vector.extract %get3A_8[0, 0] : f32 from vector<1x1xf32>
    %add3A = vector.broadcast %get3A_9 : f32 to vector<1x10000xf32>
    %add3A_10 = arith.addf %dot_general3A_5, %add3A : vector<1x10000xf32>
    %reduce_max3A = vector.shape_cast %add3A_10 : vector<1x10000xf32> to vector<1x1x10000xf32>
    %reduce_max3A_11 = arith.constant dense<0xFF800000> : vector<1xf32>
    %reduce_max3A_12 = vector.multi_reduction <maximumf>, %reduce_max3A, %reduce_max3A_11 [1, 2] : vector<1x1x10000xf32> to vector<1xf32>
    %reduce_max3A_13 = vector.shape_cast %reduce_max3A_12 : vector<1xf32> to vector<1x1x1xf32>
    %reduce_max3A_14 = vector.extract %reduce_max3A_13[0, 0, 0] : f32 from vector<1x1x1xf32>
    %sub3A = vector.broadcast %reduce_max3A_14 : f32 to vector<1x10000xf32>
    %sub3A_15 = arith.subf %add3A_10, %sub3A : vector<1x10000xf32>
    %exp3A = math.exp %sub3A_15 : vector<1x10000xf32>
    %reduce_sum3A = vector.shape_cast %exp3A : vector<1x10000xf32> to vector<1x1x10000xf32>
    %reduce_sum3A_16 = arith.constant dense<0.000000e+00> : vector<1xf32>
    %reduce_sum3A_17 = vector.multi_reduction <add>, %reduce_sum3A, %reduce_sum3A_16 [1, 2] : vector<1x1x10000xf32> to vector<1xf32>
    %reduce_sum3A_18 = vector.shape_cast %reduce_sum3A_17 : vector<1xf32> to vector<1x1x1xf32>
    %reduce_sum3A_19 = vector.extract %reduce_sum3A_18[0, 0, 0] : f32 from vector<1x1x1xf32>
    %div3A = arith.constant 1.000000e+00 : f32
    %div3A_20 = arith.divf %div3A, %reduce_sum3A_19 : f32
    %mul3A = vector.broadcast %div3A_20 : f32 to vector<1x10000xf32>
    %mul3A_21 = arith.mulf %exp3A, %mul3A : vector<1x10000xf32>
    %dot_general3A_22 = arith.constant dense<0.000000e+00> : vector<1x128xf32>
    %dot_general3A_23 = tpu.matmul %mul3A_21, %get3A_1, %dot_general3A_22 {dimension_numbers = #tpu.dot_dimension_numbers<[1], [0], [0], [1], [0, 0, 1, 1], [], []>, transpose_lhs_hint = false} : vector<1x10000xf32>, vector<10000x128xf32>, vector<1x128xf32> -> vector<1x128xf32>
    %swap3A = arith.constant 0 : index
    %swap3A_24 = arith.constant 0 : index
    %swap3A_25 = vector.load %arg3[%swap3A, %swap3A_24] : memref<1x128xf32, #tpu.memory_space<vmem>>, vector<1x128xf32>
    tpu.vector_store %arg3[%swap3A, %swap3A_24], %dot_general3A_23 {strides = array<i32>} : memref<1x128xf32, #tpu.memory_space<vmem>>, vector<1x128xf32>,
    return
  }
}

</mosaic_0001>

<sc_bundles>
// kernel: kernel.13.cloned.1.call-start
scs
__scs_entry_jumppad:
0x0: {  	(pc) =	sbr.rel $0x88, $3  }
0x1: {  	(tag) =	ssettag $0x0;
	lr =	simm.s32 $0x1  }
0x2: {  	[smem:$0x3F95] =	sst lr;
	_ =	strace $0xD0000000  }
0x3: {  	_ = 	snop  }
0x4: {  	_ = 	snop  }
0x5: {  	_ = 	snop  }
0x6: {  	_ = 	snop  }
0x7: {  	_ = 	snop  }
__scs_overlays_trampoline_lowered:
0x8: {  	[smem:$0x3FA4] =	sst s0  }
0x9: {  	[smem:$0x3FA5] =	sst s1  }
0xa: {  	[smem:$0x3FA6] =	sst s2  }
0xb: {  	[smem:$0x3FA7] =	sst s3  }
0xc: {  	[smem:$0x3FA8] =	sst s4  }
0xd: {  	[smem:$0x3FA9] =	sst s5  }
0xe: {  	[smem:$0x3FAA] =	sst s6  }
0xf: {  	[smem:$0x3FAB] =	sst s7  }
0x10: {  	[smem:$0x3FAC] =	sst s8  }
0x11: {  	[smem:$0x3FAD] =	sst s9;
	s0 =	simm.s32 @!p0 $0x0  }
0x12: {  	s1 =	sld [smem:$0x3F93];
	s0 =	simm.s32 @p0 $0x1  }
0x13: {  	[smem:$0x3FAE] =	sst s0;
	s0 =	simm.s32 @!p1 $0x0  }
0x14: {  	s2 =	sld [smem:$0x3F92];
	s0 =	simm.s32 @p1 $0x1  }
0x15: {  	[smem:$0x3FAF] =	sst s0;
	s0 =	simm.s32 @!p2 $0x0  }
0x16: {  	s3 =	sld [smem:$0x3FDB];
	s0 =	simm.s32 @p2 $0x1  }
0x17: {  	s4 =	simm.s32 $0x1BF5;
	[smem:$0x3FB1] =	sst s0  }
0x18: {  	s0 =	sld [smem:$0x3F94];
	_ =	swait.ge [sflag:s4], $0x0  }
0x19: {  	s7 =	sld [smem:$0x3F95]  }
0x1a: {  	s8 =	sadd.s32 $0xFFFFE003, lr  }
0x1b: {  	s9 =	sadd.s32 $0xFFFFFEF7, lr;
	s5 =	simm.s32 $0xFFFFFFFF;
	p2 =	slt.u32 s8, $0xFFFFF086  }
0x1c: {  	p1 =	slt.u32 s9, $0xF7A;
	s5 =	simm.s32 @!p2 $0x0  }
0x1d: {  	s5 =	simm.s32 @p1 $0x1;
	p0 =	seq.s32 s7, s2  }
0x1e: {  	s7 =	smul.u32 @!p0 $0xF7A, s2;
	p2 =	seq.s32 @!p0 s5, $0x0  }
0x1f: {  	s9 =	smul.u32 $0xF7A, s1;
	s8 =	simm.s32 @!p0 $0x1BF5;
	p2 =	por !p2, p0  }
0x20: {  	[sflag:s8] =	ssyncset.s32 @!p0 $0xFFFFF086;
	s6 =	sadd.s32 @!p0 s3, s7;
	s7 =	simm.s32 @!p0 $0x108  }
0x21: {  	s3 =	sadd.s32 s3, s9;
	s6 =	sadd.s32 @!p0 $0x88, s6;
	s7 =	simm.s32 @p2 $0x1082  }
0x22: {  	[simem:s7], [sflag:s8] =	dma.local @!p0 [hbm:s6], $0xF7A  }
0x23: {  	s9 =	sor.u32 $0xD0000000, s2;
	s6 =	simm.s32 $0x108;
	_ =	swait.ge @!p0 [sflag:s8], $0x0  }
0x24: {  	s3 =	sadd.s32 $0x88, s3;
	s6 =	simm.s32 @!p1 $0x1082;
	[sflag:s4] =	ssyncset.s32 $0xFFFFF086  }
0x25: {  	[simem:s6], [sflag:s4] =	dma.local [hbm:s3], $0xF7A  }
0x26: {  	[smem:$0x3F95] =	sst s1;
	(tag) =	ssettag s2;
	_ =	strace s9  }
0x27: {  	s1 =	sld [smem:$0x3FA5]  }
0x28: {  	s2 =	sld [smem:$0x3FA6]  }
0x29: {  	s4 =	sld [smem:$0x3FA8]  }
0x2a: {  	p0 =	seq.s32 s5, $0x0;
	s5 =	sld [smem:$0x3FA9]  }
0x2b: {  	s6 =	sld [smem:$0x3FAA]  }
0x2c: {  	s7 =	sld [smem:$0x3FAB]  }
0x2d: {  	s3 =	simm.s32 $0x108;
	s8 =	sld [smem:$0x3FAC]  }
0x2e: {  	s3 =	simm.s32 @!p0 $0x1082;
	s9 =	sld [smem:$0x3FAD]  }
0x2f: {  	lr =	sadd.s32 s0, s3;
	s0 =	sld [smem:$0x3FA4]  }
0x30: {  	s3 =	sld [smem:$0x3FA7]  }
0x31: {  	[smem:$0x3FB0] =	sst s10  }
0x32: {  	s10 =	sld [smem:$0x3FAE];
	_ =	sdelay $0x3  }
0x33: {  	p0 =	seq.s32 s10, $0x1;
	s10 =	sld [smem:$0x3FB0];
	_ =	sdelay $0x3  }
0x34: {  	[smem:$0x3FB0] =	sst s10  }
0x35: {  	s10 =	sld [smem:$0x3FAF];
	_ =	sdelay $0x3  }
0x36: {  	p1 =	seq.s32 s10, $0x1;
	s10 =	sld [smem:$0x3FB0];
	_ =	sdelay $0x3  }
0x37: {  	[smem:$0x3FB0] =	sst s10  }
0x38: {  	s10 =	sld [smem:$0x3FB1]  }
0x39: {  	_ = 	snop;
	(pc) =	sbr.ind lr, $3  }
0x3a: {  	_ = 	snop  }
0x3b: {  	_ = 	snop  }
0x3c: {  	p2 =	seq.s32 s10, $0x1;
	s10 =	sld [smem:$0x3FB0]  }
0x3d: {  	_ =	shalt  }
0x3e: {  	_ =	shalt  }
0x3f: {  	_ =	shalt  }
0x40: {  	_ =	shalt  }
0x41: {  	_ =	shalt  }
0x42: {  	_ =	shalt  }
0x43: {  	_ =	shalt  }
0x44: {  	_ =	shalt  }
0x45: {  	_ =	shalt  }
0x46: {  	_ =	shalt  }
0x47: {  	_ =	shalt  }
0x48: {  	_ =	shalt  }
0x49: {  	_ =	shalt  }
0x4a: {  	_ =	shalt  }
0x4b: {  	_ =	shalt  }
0x4c: {  	_ =	shalt  }
0x4d: {  	_ =	shalt  }
0x4e: {  	_ =	shalt  }
0x4f: {  	_ =	shalt  }
0x50: {  	_ =	shalt  }
0x51: {  	_ =	shalt  }
0x52: {  	_ =	shalt  }
0x53: {  	_ =	shalt  }
0x54: {  	_ =	shalt  }
0x55: {  	_ =	shalt  }
0x56: {  	_ =	shalt  }
0x57: {  	_ =	shalt  }
0x58: {  	_ =	shalt  }
0x59: {  	_ =	shalt  }
0x5a: {  	_ =	shalt  }
0x5b: {  	_ =	shalt  }
0x5c: {  	_ =	shalt  }
0x5d: {  	_ =	shalt  }
0x5e: {  	_ =	shalt  }
0x5f: {  	_ =	shalt  }
0x60: {  	_ =	shalt  }
0x61: {  	_ =	shalt  }
0x62: {  	_ =	shalt  }
0x63: {  	_ =	shalt  }
0x64: {  	_ =	shalt  }
0x65: {  	_ =	shalt  }
0x66: {  	_ =	shalt  }
0x67: {  	_ =	shalt  }
0x68: {  	_ =	shalt  }
0x69: {  	_ =	shalt  }
0x6a: {  	_ =	shalt  }
0x6b: {  	_ =	shalt  }
0x6c: {  	_ =	shalt  }
0x6d: {  	_ =	shalt  }
0x6e: {  	_ =	shalt  }
0x6f: {  	_ =	shalt  }
0x70: {  	_ =	shalt  }
0x71: {  	_ =	shalt  }
0x72: {  	_ =	shalt  }
0x73: {  	_ =	shalt  }
0x74: {  	_ =	shalt  }
0x75: {  	_ =	shalt  }
0x76: {  	_ =	shalt  }
0x77: {  	_ =	shalt  }
0x78: {  	_ =	shalt  }
0x79: {  	_ =	shalt  }
0x7a: {  	_ =	shalt  }
0x7b: {  	_ =	shalt  }
0x7c: {  	_ =	shalt  }
0x7d: {  	_ =	shalt  }
0x7e: {  	_ =	shalt  }
0x7f: {  	_ =	shalt  }
0x80: {  	_ =	shalt  }
0x81: {  	_ =	shalt  }
0x82: {  	_ =	shalt  }
0x83: {  	_ =	shalt  }
0x84: {  	_ =	shalt  }
0x85: {  	_ =	shalt  }
0x86: {  	_ =	shalt  }
0x87: {  	_ =	shalt  }
.Lfunc_end0:
.L_simem_size_0:
called_computation_lowered:
.L_overlay_start_0:
0x88: {  	s2 =	sld [smem:$0x3FD9]  }
0x89: {  	s3 =	sld [smem:$0x3FFE];
	_ =	sdelay $0x1  }
0x8a: {  	s1 =	srdreg.scid  }
0x8b: {  	s0 =	sand.u32 $0x1, s1  }
0x8c: {  	s17 =	sshll.u32 s0, $0xA;
	s2 =	sadd.s32 s3, s2  }
0x8d: {  	s2 =	sadd.s32 s2, s17  }
0x8e: {  	[smem:$0x3FBC] =	sst s2  }
0x8f: {  	_ = 	snop  }
0x90: {  	s2 =	sld [smem:$0x3FC6];
	(tm) =	ssettm $0x1  }
0x91: {  	s18 =	sld [smem:$0x3FFB];
	_ =	sdelay $0x3  }
0x92: {  	_ =	strace s18  }
0x93: {  	s3 =	sld [smem:$0x3FFC];
	_ =	sdelay $0x3  }
0x94: {  	_ =	strace s3  }
0x95: {  	s3 =	sld [smem:$0x3FFD];
	_ =	sdelay $0x3  }
0x96: {  	_ =	strace s3  }
0x97: {  	_ =	strace $0x8FFFFFFF  }
0x98: {  	s19 =	sld [smem:$0x3FDB];
	_ =	sdelay $0x1  }
0x99: {  	s4 =	simm.s32 $_scs_section_size  }
0x9a: {  	s5 =	simm.s32 $_size__tile_overlayer_lowered;
	s6 =	simm.s32 $_tile_overlayer_lowered  }
0x9b: {  	s22 =	simm.s32 $0x1BFF;
	s21 =	sshll.u32 s6, $0x1;
	s3 =	sadd.s32 s4, s19  }
0x9c: {  	s7 =	simm.s32 $0x0;
	s20 =	sshll.u32 s5, $0x1;
	s5 =	sadd.s32 s21, s3  }
0x9d: {  	[timem:s7], [sflag:s22] =	dma.local [hbm:s5], s20  }
0x9e: {  	_ =	swait.ge [sflag:s22], s20  }
0x9f: {  	s4 =	ssub.s32 $0x0, s20;
	[sflag:s22] =	ssyncset.done $0x0  }
0xa0: {  	[sflag:s22] =	ssyncadd.s32 s4;
	_ =	sdelay $0x1  }
0xa1: {  	s23 =	simm.s32 $0x1B8B  }
0xa2: {  	_ =	swait.ge [sflag:s23], $0x1  }
0xa3: {  	[sflag:s23] =	ssyncset.done $0x0  }
0xa4: {  	s25 =	simm.s32 $0x1B8E;
	s24 =	sld [smem:$0x3FFE];
	[sflag:s23] =	ssyncadd.s32 $0xFFFFFFFF  }
0xa5: {  	s26 =	simm.s32 $execute0_lowered;
	[smem:$0x3FD2] =	sst s25  }
0xa6: {  	s5 =	sshll.u32 s26, $0x1;
	_ =	strace $0x80000046;
	[dreg:$0x1] =	wrdreg $0xFFFFFFFF  }
0xa7: {  	s28 =	simm.s32 $_size_execute0_lowered;
	s3 =	sadd.s32 s3, s5;
	[dreg:$0x0] =	wrdreg $0x0  }
0xa8: {  	s5 =	sshll.u32 s28, $0x1;
	[dreg:$0x2] =	wrdreg s3  }
0xa9: {  	[dreg:$0x3] =	wrdreg s5  }
0xaa: {  	[dreg:$0x4] =	wrdreg $0xC0  }
0xab: {  	_ =	task [dreg:s7], $0x5FFFF  }
0xac: {  	[dreg:$0x1] =	wrdreg $0xFFFFFFFF  }
0xad: {  	[dreg:$0x0] =	wrdreg $0x60  }
0xae: {  	[dreg:$0x2] =	wrdreg s24  }
0xaf: {  	[dreg:$0x3] =	wrdreg s2  }
0xb0: {  	[dreg:$0x4] =	wrdreg $0x9  }
0xb1: {  	_ =	task.clear_ibuf [dreg:s7], $0x5FFFF;
	_ =	strace $0x90000046  }
0xb2: {  	s29 =	simm.s32 $0x9;
	_ =	strace $0x80000048  }
0xb3: {  	_ =	swait.ge [sflag:s29], $0x1  }
0xb4: {  	[sflag:s29] =	ssyncadd.s32 $0xFFFFFFFF  }
0xb5: {  	_ =	strace $0x90000048  }
0xb6: {  	_ =	sfence  }
0xb7: {  	s30 =	sld [smem:$0x0];
	_ =	sdelay $0x2  }
0xb8: {  	s31 =	sshll.u32 s1, $0xD;
	s1 =	sshrl.u32 s1, $0x2  }
0xb9: {  	s3 =	sand.u32 $0x4000, s31;
	s1 =	sadd.s32 s1, s30  }
0xba: {  	s0 =	sor.u32 s3, s0;
	s1 =	sshll.u32 s1, $0x11  }
0xbb: {  	s0 =	sor.u32 s1, s0  }
0xbc: {  	s0 =	sadd.s32 $0x8F2B, s0  }
0xbd: {  	[sflag:s0] =	ssyncadd.remote.s32 $0x1  }
0xbe: {  	_ =	sfence.sel $0xFFFF  }
0xbf: {  	[dreg:$0x0] =	wrdreg $0xFFFFFFFF;
	(pc) =	sbr.abs _section_cstart, $3  }
0xc0: {  	[dreg:$0x1] =	wrdreg $0xFFFFFFFF  }
0xc1: {  	_ =	task.clear_ibuf [dreg:s7], $0x2FFFF;
	_ =	strace $0x9FFFFFFF  }
0xc2: {  	(tm) =	ssettm $0x7FFFFFFF  }
0xc3: {  	_ =	shalt  }
tec
execute0_lowered:
.L_overlay_start_1:
0x0: {  	(tag) =	ssettag $0x1  }
0x1: {  	s1 =	srdreg.scid;
	s0 =	stileid.u32  }
0x2: {  	s9 =	rddreg [dreg:$0x0];
	s14 =	sand.u32 $0x1, s1;
	s31 =	sshll.u32 s0, $0x1  }
0x3: {  	s2 =	rddreg [dreg:$0x1];
	s6 =	sor.u32 s14, s31  }
0x4: {  	s3 =	simm.s32 $0x0;
	s1 =	rddreg [dreg:$0x2];
	s4 =	sshll.u32 s6, $0x6  }
0x5: {  	[smem:$0x7FF] =	sst s3;
	s4 =	sadd.s32 s4, s9  }
0x6: {  	_ =	strace $0x80000047;
	s5 =	sadd.s32 $0x2600, s4;
	s4 =	simm.s32 $0x2  }
0x7: {  	[tilespmem:s3], [sflag:$0x2] =	stream.linear.gather [hbm4b:s5+s3], $0x200, $0x38;
	[tilespmem:$0x2A00] =	vst v63  }
0x8: {  	_ =	swait.ge [sflag:s4], $0x200  }
0x9: {  	s7 =	simm.s32 $0x200;
	s8 =	simm.s32 $0x1;
	[sflag:s4] =	ssyncset.done $0x0  }
0xa: {  	s10 =	smul.u32 $0x1400, s6;
	s6 =	simm.s32 $0x50;
	[sflag:s4] =	ssyncadd.s32 $0xFFFFFE00  }
0xb: {  	[tilespmem:s7], [sflag:$0x1] =	stream.indirect.gather [hbm4b:s2+s6], $0x80, s3, s6, $0xb8;
	[tilespmem:$0x2A00] =	vst v63  }
0xc: {  	_ =	swait.ge [sflag:s8], $0x2800  }
0xd: {  	s15 =	sadd.s32 s10, s9;
	[sflag:s8] =	ssyncset.done $0x0  }
0xe: {  	s9 =	sadd.s32 $0x2E00, s15;
	[sflag:s8] =	ssyncadd.s32 $0xFFFFD800  }
0xf: {  	[hbm4b:s9+s3] =	stream.linear.scatter [tilespmem:s7], [sflag:$0x2], $0x2800, $0x38;
	[tilespmem:$0x2A00] =	vst v63  }
0x10: {  	_ =	swait.ge [sflag:s4], $0x2800  }
0x11: {  	[sflag:s4] =	ssyncset.done $0x0  }
0x12: {  	s10 =	simm.s32 $0x80;
	[sflag:s4] =	ssyncadd.s32 $0xFFFFD800  }
0x13: {  	[tilespmem:s7], [sflag:$0x1] =	stream.indirect.gather [hbm4b:s2+s6], $0x80, s10, s6, $0xb8;
	[tilespmem:$0x2A00] =	vst v63  }
0x14: {  	_ =	swait.ge [sflag:s8], $0x2800  }
0x15: {  	[sflag:s8] =	ssyncset.done $0x0  }
0x16: {  	s11 =	sadd.s32 $0x3300, s15;
	[sflag:s8] =	ssyncadd.s32 $0xFFFFD800  }
0x17: {  	[hbm4b:s11+s3] =	stream.linear.scatter [tilespmem:s7], [sflag:$0x2], $0x2800, $0x38;
	[tilespmem:$0x2A00] =	vst v63  }
0x18: {  	_ =	swait.ge [sflag:s4], $0x2800  }
0x19: {  	[sflag:s4] =	ssyncset.done $0x0  }
0x1a: {  	s12 =	simm.s32 $0x100;
	[sflag:s4] =	ssyncadd.s32 $0xFFFFD800  }
0x1b: {  	[tilespmem:s7], [sflag:$0x1] =	stream.indirect.gather [hbm4b:s2+s6], $0x80, s12, s6, $0xb8;
	[tilespmem:$0x2A00] =	vst v63  }
0x1c: {  	_ =	swait.ge [sflag:s8], $0x2800  }
0x1d: {  	[sflag:s8] =	ssyncset.done $0x0  }
0x1e: {  	s16 =	ssub.s32 $0x2, s14;
	s13 =	sadd.s32 $0x3800, s15;
	[sflag:s8] =	ssyncadd.s32 $0xFFFFD800  }
0x1f: {  	[hbm4b:s13+s3] =	stream.linear.scatter [tilespmem:s7], [sflag:$0x2], $0x2800, $0x38;
	[tilespmem:$0x2A00] =	vst v63  }
0x20: {  	s17 =	sshrl.u32 s16, $0x1;
	_ =	swait.ge [sflag:s4], $0x2800  }
0x21: {  	s16 =	ssub.s32 s16, s17;
	[sflag:s4] =	ssyncset.done $0x0  }
0x22: {  	s14 =	simm.s32 $0x180;
	s16 =	smax.u32 s16, $0x1;
	[sflag:s4] =	ssyncadd.s32 $0xFFFFD800  }
0x23: {  	[tilespmem:s7], [sflag:$0x1] =	stream.indirect.gather [hbm4b:s2+s6], $0x80, s14, s6, $0xb8;
	[tilespmem:$0x2A00] =	vst v63  }
0x24: {  	p0 =	sne.s32 s16, $0x1;
	_ =	swait.ge [sflag:s8], $0x2800  }
.Ltmp0:
0x25: {  	[sflag:s8] =	ssyncset.done $0x0;
	(pc) =	sbr.rel @!p0 .LBB2_2-.Ltmp0, $4  }
0x26: {  	s15 =	sadd.s32 $0x3D00, s15;
	[sflag:s8] =	ssyncadd.s32 $0xFFFFD800  }
0x27: {  	[hbm4b:s15+s3] =	stream.linear.scatter [tilespmem:s7], [sflag:$0x2], $0x2800, $0x38;
	[tilespmem:$0x2A00] =	vst v63  }
0x28: {  	_ =	swait.ge [sflag:s4], $0x2800  }
0x29: {  	s16 =	sadd.s32 $0xFFFFFFFF, s16;
	[sflag:s4] =	ssyncset.done $0x0  }
.LBB2_1:
0x2a: {  	p0 =	sne.s32 s16, $0x1;
	s16 =	sadd.s32 $0xFFFFFFFF, s16;
	[sflag:s4] =	ssyncadd.s32 $0xFFFFD800  }
0x2b: {  	[tilespmem:s3], [sflag:$0x2] =	stream.linear.gather [hbm4b:s5+s3], $0x200, $0x38;
	[tilespmem:$0x2A00] =	vst v63  }
0x2c: {  	_ =	swait.ge [sflag:s4], $0x200  }
0x2d: {  	[sflag:s4] =	ssyncset.done $0x0  }
0x2e: {  	[sflag:s4] =	ssyncadd.s32 $0xFFFFFE00  }
0x2f: {  	[tilespmem:s7], [sflag:$0x1] =	stream.indirect.gather [hbm4b:s2+s6], $0x80, s3, s6, $0xb8;
	[tilespmem:$0x2A00] =	vst v63  }
0x30: {  	_ =	swait.ge [sflag:s8], $0x2800  }
0x31: {  	[sflag:s8] =	ssyncset.done $0x0  }
0x32: {  	[sflag:s8] =	ssyncadd.s32 $0xFFFFD800  }
0x33: {  	[hbm4b:s9+s3] =	stream.linear.scatter [tilespmem:s7], [sflag:$0x2], $0x2800, $0x38;
	[tilespmem:$0x2A00] =	vst v63  }
0x34: {  	_ =	swait.ge [sflag:s4], $0x2800  }
0x35: {  	[sflag:s4] =	ssyncset.done $0x0  }
0x36: {  	[sflag:s4] =	ssyncadd.s32 $0xFFFFD800  }
0x37: {  	[tilespmem:s7], [sflag:$0x1] =	stream.indirect.gather [hbm4b:s2+s6], $0x80, s10, s6, $0xb8;
	[tilespmem:$0x2A00] =	vst v63  }
0x38: {  	_ =	swait.ge [sflag:s8], $0x2800  }
0x39: {  	[sflag:s8] =	ssyncset.done $0x0  }
0x3a: {  	[sflag:s8] =	ssyncadd.s32 $0xFFFFD800  }
0x3b: {  	[hbm4b:s11+s3] =	stream.linear.scatter [tilespmem:s7], [sflag:$0x2], $0x2800, $0x38;
	[tilespmem:$0x2A00] =	vst v63  }
0x3c: {  	_ =	swait.ge [sflag:s4], $0x2800  }
0x3d: {  	[sflag:s4] =	ssyncset.done $0x0  }
0x3e: {  	[sflag:s4] =	ssyncadd.s32 $0xFFFFD800  }
0x3f: {  	[tilespmem:s7], [sflag:$0x1] =	stream.indirect.gather [hbm4b:s2+s6], $0x80, s12, s6, $0xb8;
	[tilespmem:$0x2A00] =	vst v63  }
0x40: {  	_ =	swait.ge [sflag:s8], $0x2800  }
0x41: {  	[sflag:s8] =	ssyncset.done $0x0  }
0x42: {  	[sflag:s8] =	ssyncadd.s32 $0xFFFFD800  }
0x43: {  	[hbm4b:s13+s3] =	stream.linear.scatter [tilespmem:s7], [sflag:$0x2], $0x2800, $0x38;
	[tilespmem:$0x2A00] =	vst v63  }
0x44: {  	_ =	swait.ge [sflag:s4], $0x2800  }
0x45: {  	[sflag:s4] =	ssyncset.done $0x0  }
0x46: {  	[sflag:s4] =	ssyncadd.s32 $0xFFFFD800  }
0x47: {  	[tilespmem:s7], [sflag:$0x1] =	stream.indirect.gather [hbm4b:s2+s6], $0x80, s14, s6, $0xb8;
	[tilespmem:$0x2A00] =	vst v63  }
0x48: {  	_ =	swait.ge [sflag:s8], $0x2800  }
.Ltmp1:
0x49: {  	[sflag:s8] =	ssyncset.done $0x0;
	(pc) =	sbr.rel @p0 .LBB2_1-.Ltmp1, $4  }
0x4a: {  	[sflag:s8] =	ssyncadd.s32 $0xFFFFD800  }
0x4b: {  	[hbm4b:s15+s3] =	stream.linear.scatter [tilespmem:s7], [sflag:$0x2], $0x2800, $0x38;
	[tilespmem:$0x2A00] =	vst v63  }
0x4c: {  	_ =	swait.ge [sflag:s4], $0x2800  }
0x4d: {  	[sflag:s4] =	ssyncset.done $0x0  }
.LBB2_2:
0x4e: {  	[sflag:s4] =	ssyncadd.s32 $0xFFFFD800  }
0x4f: {  	_ =	sfence.sel $0x180000  }
0x50: {  	[bflag:$0x0] =	sbarrier.arrive $0xFFFF  }
0x51: {  	p0 =	sne.s32 s0, $0x0;
	_ =	strace $0x90000047  }
0x52: {  	s0 =	sadd.s32 @!p0 $0x100000, s1;
	[bflag:$0x2] =	sbarrier.arrive $0xFFFF  }
0x53: {  	[sflag:s0] =	ssyncadd.tile.s32 @!p0 $0x1;
	_ =	shalt  }
.Lfunc_end2:
_tile_overlayer_lowered:
.L_overlay_start_2:
0x54: {  	(tag) =	ssettag $0x2  }
0x55: {  	s0 =	rddreg [dreg:$0x0];
	s2 =	stileid.u32  }
0x56: {  	s1 =	rddreg [dreg:$0x1];
	p0 =	sne.s32 s2, $0x0  }
0x57: {  	s3 =	rddreg [dreg:$0x2];
	[bflag:$0x3] =	sbarrier.arrive $0xFFFF;
	s2 =	simm.s32 @!p0 $0x1C02  }
0x58: {  	[timem:s3], [sflag:s2] =	dma.local @!p0 [hbm:s0], s1  }
0x59: {  	s0 =	simm.s32 @!p0 $0x2  }
0x5a: {  	_ =	swait.ge @!p0 [sflag:s0], s1  }
0x5b: {  	s1 =	ssub.s32 @!p0 $0x0, s1;
	[sflag:s0] =	ssyncset.done @!p0 $0x0  }
0x5c: {  	[sflag:s0] =	ssyncadd.s32 @!p0 s1  }
0x5d: {  	[bflag:$0x3] =	sbarrier.arrive $0xFFFF  }
0x5e: {  	_ =	shalt  }

// kernel: kernel.16.cloned.1.call-start
scs
__scs_entry_jumppad:
0x0: {  	(pc) =	sbr.rel $0x88, $3  }
0x1: {  	(tag) =	ssettag $0x0;
	lr =	simm.s32 $0x1  }
0x2: {  	[smem:$0x3F95] =	sst lr;
	_ =	strace $0xD0000000  }
0x3: {  	_ = 	snop  }
0x4: {  	_ = 	snop  }
0x5: {  	_ = 	snop  }
0x6: {  	_ = 	snop  }
0x7: {  	_ = 	snop  }
__scs_overlays_trampoline_lowered:
0x8: {  	[smem:$0x3FA4] =	sst s0  }
0x9: {  	[smem:$0x3FA5] =	sst s1  }
0xa: {  	[smem:$0x3FA6] =	sst s2  }
0xb: {  	[smem:$0x3FA7] =	sst s3  }
0xc: {  	[smem:$0x3FA8] =	sst s4  }
0xd: {  	[smem:$0x3FA9] =	sst s5  }
0xe: {  	[smem:$0x3FAA] =	sst s6  }
0xf: {  	[smem:$0x3FAB] =	sst s7  }
0x10: {  	[smem:$0x3FAC] =	sst s8  }
0x11: {  	[smem:$0x3FAD] =	sst s9;
	s0 =	simm.s32 @!p0 $0x0  }
0x12: {  	s1 =	sld [smem:$0x3F93];
	s0 =	simm.s32 @p0 $0x1  }
0x13: {  	[smem:$0x3FAE] =	sst s0;
	s0 =	simm.s32 @!p1 $0x0  }
0x14: {  	s2 =	sld [smem:$0x3F92];
	s0 =	simm.s32 @p1 $0x1  }
0x15: {  	[smem:$0x3FAF] =	sst s0;
	s0 =	simm.s32 @!p2 $0x0  }
0x16: {  	s3 =	sld [smem:$0x3FDB];
	s0 =	simm.s32 @p2 $0x1  }
0x17: {  	s4 =	simm.s32 $0x1BF5;
	[smem:$0x3FB1] =	sst s0  }
0x18: {  	s0 =	sld [smem:$0x3F94];
	_ =	swait.ge [sflag:s4], $0x0  }
0x19: {  	s7 =	sld [smem:$0x3F95]  }
0x1a: {  	s8 =	sadd.s32 $0xFFFFE003, lr  }
0x1b: {  	s9 =	sadd.s32 $0xFFFFFEF7, lr;
	s5 =	simm.s32 $0xFFFFFFFF;
	p2 =	slt.u32 s8, $0xFFFFF086  }
0x1c: {  	p1 =	slt.u32 s9, $0xF7A;
	s5 =	simm.s32 @!p2 $0x0  }
0x1d: {  	s5 =	simm.s32 @p1 $0x1;
	p0 =	seq.s32 s7, s2  }
0x1e: {  	s7 =	smul.u32 @!p0 $0xF7A, s2;
	p2 =	seq.s32 @!p0 s5, $0x0  }
0x1f: {  	s9 =	smul.u32 $0xF7A, s1;
	s8 =	simm.s32 @!p0 $0x1BF5;
	p2 =	por !p2, p0  }
0x20: {  	[sflag:s8] =	ssyncset.s32 @!p0 $0xFFFFF086;
	s6 =	sadd.s32 @!p0 s3, s7;
	s7 =	simm.s32 @!p0 $0x108  }
0x21: {  	s3 =	sadd.s32 s3, s9;
	s6 =	sadd.s32 @!p0 $0x88, s6;
	s7 =	simm.s32 @p2 $0x1082  }
0x22: {  	[simem:s7], [sflag:s8] =	dma.local @!p0 [hbm:s6], $0xF7A  }
0x23: {  	s9 =	sor.u32 $0xD0000000, s2;
	s6 =	simm.s32 $0x108;
	_ =	swait.ge @!p0 [sflag:s8], $0x0  }
0x24: {  	s3 =	sadd.s32 $0x88, s3;
	s6 =	simm.s32 @!p1 $0x1082;
	[sflag:s4] =	ssyncset.s32 $0xFFFFF086  }
0x25: {  	[simem:s6], [sflag:s4] =	dma.local [hbm:s3], $0xF7A  }
0x26: {  	[smem:$0x3F95] =	sst s1;
	(tag) =	ssettag s2;
	_ =	strace s9  }
0x27: {  	s1 =	sld [smem:$0x3FA5]  }
0x28: {  	s2 =	sld [smem:$0x3FA6]  }
0x29: {  	s4 =	sld [smem:$0x3FA8]  }
0x2a: {  	p0 =	seq.s32 s5, $0x0;
	s5 =	sld [smem:$0x3FA9]  }
0x2b: {  	s6 =	sld [smem:$0x3FAA]  }
0x2c: {  	s7 =	sld [smem:$0x3FAB]  }
0x2d: {  	s3 =	simm.s32 $0x108;
	s8 =	sld [smem:$0x3FAC]  }
0x2e: {  	s3 =	simm.s32 @!p0 $0x1082;
	s9 =	sld [smem:$0x3FAD]  }
0x2f: {  	lr =	sadd.s32 s0, s3;
	s0 =	sld [smem:$0x3FA4]  }
0x30: {  	s3 =	sld [smem:$0x3FA7]  }
0x31: {  	[smem:$0x3FB0] =	sst s10  }
0x32: {  	s10 =	sld [smem:$0x3FAE];
	_ =	sdelay $0x3  }
0x33: {  	p0 =	seq.s32 s10, $0x1;
	s10 =	sld [smem:$0x3FB0];
	_ =	sdelay $0x3  }
0x34: {  	[smem:$0x3FB0] =	sst s10  }
0x35: {  	s10 =	sld [smem:$0x3FAF];
	_ =	sdelay $0x3  }
0x36: {  	p1 =	seq.s32 s10, $0x1;
	s10 =	sld [smem:$0x3FB0];
	_ =	sdelay $0x3  }
0x37: {  	[smem:$0x3FB0] =	sst s10  }
0x38: {  	s10 =	sld [smem:$0x3FB1]  }
0x39: {  	_ = 	snop;
	(pc) =	sbr.ind lr, $3  }
0x3a: {  	_ = 	snop  }
0x3b: {  	_ = 	snop  }
0x3c: {  	p2 =	seq.s32 s10, $0x1;
	s10 =	sld [smem:$0x3FB0]  }
0x3d: {  	_ =	shalt  }
0x3e: {  	_ =	shalt  }
0x3f: {  	_ =	shalt  }
0x40: {  	_ =	shalt  }
0x41: {  	_ =	shalt  }
0x42: {  	_ =	shalt  }
0x43: {  	_ =	shalt  }
0x44: {  	_ =	shalt  }
0x45: {  	_ =	shalt  }
0x46: {  	_ =	shalt  }
0x47: {  	_ =	shalt  }
0x48: {  	_ =	shalt  }
0x49: {  	_ =	shalt  }
0x4a: {  	_ =	shalt  }
0x4b: {  	_ =	shalt  }
0x4c: {  	_ =	shalt  }
0x4d: {  	_ =	shalt  }
0x4e: {  	_ =	shalt  }
0x4f: {  	_ =	shalt  }
0x50: {  	_ =	shalt  }
0x51: {  	_ =	shalt  }
0x52: {  	_ =	shalt  }
0x53: {  	_ =	shalt  }
0x54: {  	_ =	shalt  }
0x55: {  	_ =	shalt  }
0x56: {  	_ =	shalt  }
0x57: {  	_ =	shalt  }
0x58: {  	_ =	shalt  }
0x59: {  	_ =	shalt  }
0x5a: {  	_ =	shalt  }
0x5b: {  	_ =	shalt  }
0x5c: {  	_ =	shalt  }
0x5d: {  	_ =	shalt  }
0x5e: {  	_ =	shalt  }
0x5f: {  	_ =	shalt  }
0x60: {  	_ =	shalt  }
0x61: {  	_ =	shalt  }
0x62: {  	_ =	shalt  }
0x63: {  	_ =	shalt  }
0x64: {  	_ =	shalt  }
0x65: {  	_ =	shalt  }
0x66: {  	_ =	shalt  }
0x67: {  	_ =	shalt  }
0x68: {  	_ =	shalt  }
0x69: {  	_ =	shalt  }
0x6a: {  	_ =	shalt  }
0x6b: {  	_ =	shalt  }
0x6c: {  	_ =	shalt  }
0x6d: {  	_ =	shalt  }
0x6e: {  	_ =	shalt  }
0x6f: {  	_ =	shalt  }
0x70: {  	_ =	shalt  }
0x71: {  	_ =	shalt  }
0x72: {  	_ =	shalt  }
0x73: {  	_ =	shalt  }
0x74: {  	_ =	shalt  }
0x75: {  	_ =	shalt  }
0x76: {  	_ =	shalt  }
0x77: {  	_ =	shalt  }
0x78: {  	_ =	shalt  }
0x79: {  	_ =	shalt  }
0x7a: {  	_ =	shalt  }
0x7b: {  	_ =	shalt  }
0x7c: {  	_ =	shalt  }
0x7d: {  	_ =	shalt  }
0x7e: {  	_ =	shalt  }
0x7f: {  	_ =	shalt  }
0x80: {  	_ =	shalt  }
0x81: {  	_ =	shalt  }
0x82: {  	_ =	shalt  }
0x83: {  	_ =	shalt  }
0x84: {  	_ =	shalt  }
0x85: {  	_ =	shalt  }
0x86: {  	_ =	shalt  }
0x87: {  	_ =	shalt  }
.Lfunc_end0:
.L_simem_size_0:
called_computation.1_lowered:
.L_overlay_start_0:
0x88: {  	s2 =	sld [smem:$0x3FD9]  }
0x89: {  	s3 =	sld [smem:$0x3FFE];
	_ =	sdelay $0x1  }
0x8a: {  	s1 =	srdreg.scid  }
0x8b: {  	s0 =	sand.u32 $0x1, s1  }
0x8c: {  	s16 =	sshll.u32 s0, $0xA;
	s2 =	sadd.s32 s3, s2  }
0x8d: {  	s2 =	sadd.s32 s2, s16  }
0x8e: {  	[smem:$0x3FBC] =	sst s2  }
0x8f: {  	_ = 	snop  }
0x90: {  	(tm) =	ssettm $0x1  }
0x91: {  	s17 =	sld [smem:$0x3FFB];
	_ =	sdelay $0x3  }
0x92: {  	_ =	strace s17  }
0x93: {  	s2 =	sld [smem:$0x3FFC];
	_ =	sdelay $0x3  }
0x94: {  	_ =	strace s2  }
0x95: {  	s2 =	sld [smem:$0x3FFD];
	_ =	sdelay $0x3  }
0x96: {  	_ =	strace s2  }
0x97: {  	_ =	strace $0x8FFFFFFF  }
0x98: {  	s18 =	sld [smem:$0x3FDB];
	_ =	sdelay $0x1  }
0x99: {  	s19 =	simm.s32 $_scs_section_size  }
0x9a: {  	s4 =	simm.s32 $_size__tile_overlayer_lowered;
	s5 =	simm.s32 $_tile_overlayer_lowered  }
0x9b: {  	s22 =	simm.s32 $0x1BFF;
	s21 =	sshll.u32 s5, $0x1;
	s2 =	sadd.s32 s19, s18  }
0x9c: {  	s6 =	simm.s32 $0x0;
	s20 =	sshll.u32 s4, $0x1;
	s4 =	sadd.s32 s21, s2  }
0x9d: {  	[timem:s6], [sflag:s22] =	dma.local [hbm:s4], s20  }
0x9e: {  	_ =	swait.ge [sflag:s22], s20  }
0x9f: {  	s3 =	ssub.s32 $0x0, s20;
	[sflag:s22] =	ssyncset.done $0x0  }
0xa0: {  	[sflag:s22] =	ssyncadd.s32 s3;
	_ =	sdelay $0x1  }
0xa1: {  	s23 =	simm.s32 $0x1B8B  }
0xa2: {  	_ =	swait.ge [sflag:s23], $0x1  }
0xa3: {  	[sflag:s23] =	ssyncset.done $0x0  }
0xa4: {  	s25 =	simm.s32 $0x1B8E;
	s24 =	sld [smem:$0x3FFE];
	[sflag:s23] =	ssyncadd.s32 $0xFFFFFFFF  }
0xa5: {  	s26 =	simm.s32 $execute0_lowered;
	[smem:$0x3FD2] =	sst s25  }
0xa6: {  	s4 =	sshll.u32 s26, $0x1;
	_ =	strace $0x80000049;
	[dreg:$0x1] =	wrdreg $0xFFFFFFFF  }
0xa7: {  	s28 =	simm.s32 $_size_execute0_lowered;
	s2 =	sadd.s32 s2, s4;
	[dreg:$0x0] =	wrdreg $0x0  }
0xa8: {  	s4 =	sshll.u32 s28, $0x1;
	[dreg:$0x2] =	wrdreg s2  }
0xa9: {  	[dreg:$0x3] =	wrdreg s4  }
0xaa: {  	[dreg:$0x4] =	wrdreg $0xC0  }
0xab: {  	_ =	task [dreg:s6], $0x5FFFF  }
0xac: {  	[dreg:$0x1] =	wrdreg $0xFFFFFFFF  }
0xad: {  	[dreg:$0x0] =	wrdreg $0x60  }
0xae: {  	[dreg:$0x2] =	wrdreg s24  }
0xaf: {  	[dreg:$0x3] =	wrdreg $0x90000  }
0xb0: {  	[dreg:$0x4] =	wrdreg $0x9  }
0xb1: {  	_ =	task.clear_ibuf [dreg:s6], $0x5FFFF;
	_ =	strace $0x90000049  }
0xb2: {  	s29 =	simm.s32 $0x9;
	_ =	strace $0x8000004B  }
0xb3: {  	_ =	swait.ge [sflag:s29], $0x1  }
0xb4: {  	[sflag:s29] =	ssyncadd.s32 $0xFFFFFFFF  }
0xb5: {  	_ =	strace $0x9000004B  }
0xb6: {  	_ =	sfence  }
0xb7: {  	s30 =	sld [smem:$0x0];
	_ =	sdelay $0x2  }
0xb8: {  	s31 =	sshll.u32 s1, $0xD;
	s1 =	sshrl.u32 s1, $0x2  }
0xb9: {  	s3 =	sand.u32 $0x4000, s31;
	s1 =	sadd.s32 s1, s30  }
0xba: {  	s0 =	sor.u32 s3, s0;
	s1 =	sshll.u32 s1, $0x11  }
0xbb: {  	s0 =	sor.u32 s1, s0  }
0xbc: {  	s0 =	sadd.s32 $0x8F2B, s0  }
0xbd: {  	[sflag:s0] =	ssyncadd.remote.s32 $0x1  }
0xbe: {  	_ =	sfence.sel $0xFFFF  }
0xbf: {  	[dreg:$0x0] =	wrdreg $0xFFFFFFFF;
	(pc) =	sbr.abs _section_cstart, $3  }
0xc0: {  	[dreg:$0x1] =	wrdreg $0xFFFFFFFF  }
0xc1: {  	_ =	task.clear_ibuf [dreg:s6], $0x2FFFF;
	_ =	strace $0x9FFFFFFF  }
0xc2: {  	(tm) =	ssettm $0x7FFFFFFF  }
0xc3: {  	_ =	shalt  }
tec
execute0_lowered:
.L_overlay_start_1:
0x0: {  	(tag) =	ssettag $0x1  }
0x1: {  	s1 =	srdreg.scid  }
0x2: {  	s0 =	stileid.u32;
	s7 =	rddreg [dreg:$0x0]  }
0x3: {  	s2 =	rddreg [dreg:$0x1];
	s3 =	simm.s32 $0x0;
	s13 =	simm.s32 $0x2800  }
0x4: {  	s14 =	simm.s32 $0x80;
	s15 =	simm.s32 $0x5000;
	s16 =	simm.s32 $0x1  }
0x5: {  	s17 =	simm.s32 $0x0;
	s6 =	sand.u32 $0x1, s1;
	s8 =	smul.u32 $0x13C00, s0  }
0x6: {  	s26 =	sshll.u32 s0, $0x1;
	[smem:$0x7FF] =	sst s3;
	s10 =	smul.u32 $0x4F000, s0  }
0x7: {  	s31 =	sshll.u32 s0, $0x6;
	s1 =	sor.u32 s6, s26;
	s5 =	smul.u32 $0x13C000, s6  }
0x8: {  	s6 =	ssub.s32 $0x2, s6;
	s4 =	smul.u32 $0x500, s1;
	s1 =	rddreg [dreg:$0x2]  }
0x9: {  	_ =	strace $0x8000004A;
	s28 =	sshrl.u32 s6, $0x1;
	s29 =	sshrl.u32 s10, $0x2  }
0xa: {  	s8 =	sadd.s32 s8, s5;
	s5 =	sadd.s32 $0x2600, s7;
	s30 =	ssub.s32 s6, s28  }
0xb: {  	s12 =	sadd.s32 s29, s2;
	s6 =	sor.u32 $0x1C02, s31;
	s9 =	sadd.s32 s4, s7  }
0xc: {  	s4 =	sadd.s32 $0x3EE00, s7;
	s8 =	sshrl.u32 s8, $0x3;
	s10 =	smax.u32 s30, $0x1  }
0xd: {  	s11 =	sadd.s32 s8, s7;
	s7 =	sadd.s32 $0x2AE00, s9;
	s8 =	sadd.s32 $0x34E00, s9  }
0xe: {  	s9 =	sadd.s32 $0xB4200, s11;
	s11 =	sshrl.u32 s12, $0x3;
	s12 =	simm.s32 $0x2  }
.LBB2_1:
0xf: {  	[spmem:s11], [sflag:s6] =	dma.local [hbm:s5], $0x2780  }
0x10: {  	_ =	swait.ge [sflag:s12], $0x2780  }
0x11: {  	[sflag:s12] =	ssyncset.done $0x0  }
0x12: {  	[sflag:s12] =	ssyncadd.s32 $0xFFFFD880  }
0x13: {  	[tilespmem:s3], [sflag:$0x2] =	stream.linear.gather [hbm4b:s7+s3], $0x2780, $0x38;
	[tilespmem:$0x1CC00] =	vst v63  }
0x14: {  	_ =	swait.ge [sflag:s12], $0x2780  }
0x15: {  	[sflag:s12] =	ssyncset.done $0x0  }
0x16: {  	[sflag:s12] =	ssyncadd.s32 $0xFFFFD880  }
0x17: {  	[tilespmem:s13], [sflag:$0x2] =	stream.linear.gather [hbm4b:s8+s3], $0x2780, $0x38;
	[tilespmem:$0x1CC00] =	vst v63  }
0x18: {  	_ =	swait.ge [sflag:s12], $0x2780  }
0x19: {  	[sflag:s12] =	ssyncset.done $0x0  }
0x1a: {  	[sflag:s12] =	ssyncadd.s32 $0xFFFFD880  }
0x1b: {  	s18 =	simm.s32 $0x0;
	[bflag:$0x0] =	sbarrier.arrive $0xFFFF  }
0x1c: {  	[tilespmem:s15], [sflag:$0x1] =	stream.indirect.gather [hbm4b:s4+s14], $0x80, s18, s14, $0xb8;
	[tilespmem:$0x1CC00] =	vst v63  }
0x1d: {  	_ =	swait.ge [sflag:s16], $0x4000  }
0x1e: {  	[sflag:s16] =	ssyncset.done $0x0  }
0x1f: {  	s31 =	simm.s32 $0x2800;
	[sflag:s16] =	ssyncadd.s32 $0xFFFFC000  }
0x20: {  	[spmem:s2] =	stream.indirect.scatter.add.f32 [tilespmem:s15], [sflag:$0x2], $0x80, s31, s14, $0xb8;
	[tilespmem:$0x1CC00] =	vst v63  }
0x21: {  	_ =	swait.ge [sflag:s12], $0x4000  }
0x22: {  	s19 =	simm.s32 $0x400;
	s18 =	simm.s32 $0x200;
	[sflag:s12] =	ssyncset.done $0x0  }
.LBB2_2:
0x23: {  	s20 =	sshra.s32 s18, $0x2  }
0x24: {  	[sflag:s12] =	ssyncadd.s32 $0xFFFFC000;
	s18 =	smov.u32 s19;
	s21 =	sadd.s32 $0x200, s19  }
0x25: {  	[tilespmem:s15], [sflag:$0x1] =	stream.indirect.gather [hbm4b:s4+s14], $0x80, s20, s14, $0xb8;
	[tilespmem:$0x1CC00] =	vst v63  }
0x26: {  	p0 =	sne.s32 s19, $0x9C00;
	_ =	swait.ge [sflag:s16], $0x4000  }
.Ltmp0:
0x27: {  	[sflag:s16] =	ssyncset.done $0x0;
	(pc) =	sbr.rel @p0 .LBB2_2-.Ltmp0, $4  }
0x28: {  	s19 =	sadd.s32 $0x2800, s20;
	[sflag:s16] =	ssyncadd.s32 $0xFFFFC000  }
0x29: {  	[spmem:s2] =	stream.indirect.scatter.add.f32 [tilespmem:s15], [sflag:$0x2], $0x80, s19, s14, $0xb8;
	[tilespmem:$0x1CC00] =	vst v63  }
0x2a: {  	_ =	swait.ge [sflag:s12], $0x4000  }
0x2b: {  	s19 =	smov.u32 s21;
	[sflag:s12] =	ssyncset.done $0x0  }
0x2c: {  	s18 =	sshra.s32 s18, $0x2;
	[sflag:s12] =	ssyncadd.s32 $0xFFFFC000  }
0x2d: {  	[tilespmem:s15], [sflag:$0x1] =	stream.indirect.gather [hbm4b:s4+s14], $0x80, s18, s14, $0xb8;
	[tilespmem:$0x1CC00] =	vst v63  }
0x2e: {  	_ =	swait.ge [sflag:s16], $0x4000  }
0x2f: {  	[sflag:s16] =	ssyncset.done $0x0  }
0x30: {  	s18 =	sadd.s32 $0x2800, s18;
	[sflag:s16] =	ssyncadd.s32 $0xFFFFC000  }
0x31: {  	[spmem:s2] =	stream.indirect.scatter.add.f32 [tilespmem:s15], [sflag:$0x2], $0x80, s18, s14, $0xb8;
	[tilespmem:$0x1CC00] =	vst v63  }
0x32: {  	_ =	swait.ge [sflag:s12], $0x4000  }
0x33: {  	s17 =	sadd.s32 $0x1, s17;
	[sflag:s12] =	ssyncset.done $0x0  }
0x34: {  	p0 =	sne.s32 s17, s10;
	[sflag:s12] =	ssyncadd.s32 $0xFFFFC000  }
.Ltmp1:
0x35: {  	[bflag:$0x0] =	sbarrier.arrive $0xFFFF;
	(pc) =	sbr.rel @p0 .LBB2_1-.Ltmp1, $4  }
0x36: {  	[hbm:s9], [sflag:s6] =	dma.local [spmem:s11], $0x2780  }
0x37: {  	_ =	swait.ge [sflag:s12], $0x2780  }
0x38: {  	[sflag:s12] =	ssyncset.done $0x0  }
0x39: {  	[sflag:s12] =	ssyncadd.s32 $0xFFFFD880  }
0x3a: {  	_ =	sfence.sel $0x180000  }
0x3b: {  	[bflag:$0x0] =	sbarrier.arrive $0xFFFF  }
0x3c: {  	p0 =	sne.s32 s0, $0x0;
	_ =	strace $0x9000004A  }
0x3d: {  	s0 =	sadd.s32 @!p0 $0x100000, s1;
	[bflag:$0x2] =	sbarrier.arrive $0xFFFF  }
0x3e: {  	[sflag:s0] =	ssyncadd.tile.s32 @!p0 $0x1;
	_ =	shalt  }
.Lfunc_end2:
_tile_overlayer_lowered:
.L_overlay_start_2:
0x3f: {  	(tag) =	ssettag $0x2  }
0x40: {  	s0 =	rddreg [dreg:$0x0];
	s2 =	stileid.u32  }
0x41: {  	s1 =	rddreg [dreg:$0x1];
	p0 =	sne.s32 s2, $0x0  }
0x42: {  	s3 =	rddreg [dreg:$0x2];
	[bflag:$0x3] =	sbarrier.arrive $0xFFFF;
	s2 =	simm.s32 @!p0 $0x1C02  }
0x43: {  	[timem:s3], [sflag:s2] =	dma.local @!p0 [hbm:s0], s1  }
0x44: {  	s0 =	simm.s32 @!p0 $0x2  }
0x45: {  	_ =	swait.ge @!p0 [sflag:s0], s1  }
0x46: {  	s1 =	ssub.s32 @!p0 $0x0, s1;
	[sflag:s0] =	ssyncset.done @!p0 $0x0  }
0x47: {  	[sflag:s0] =	ssyncadd.s32 @!p0 s1  }
0x48: {  	[bflag:$0x3] =	sbarrier.arrive $0xFFFF  }
0x49: {  	_ =	shalt  }

// kernel: kernel.19.cloned.1.call-start
scs
__scs_entry_jumppad:
0x0: {  	(pc) =	sbr.rel $0x88, $3  }
0x1: {  	(tag) =	ssettag $0x0;
	lr =	simm.s32 $0x1  }
0x2: {  	[smem:$0x3F95] =	sst lr;
	_ =	strace $0xD0000000  }
0x3: {  	_ = 	snop  }
0x4: {  	_ = 	snop  }
0x5: {  	_ = 	snop  }
0x6: {  	_ = 	snop  }
0x7: {  	_ = 	snop  }
__scs_overlays_trampoline_lowered:
0x8: {  	[smem:$0x3FA4] =	sst s0  }
0x9: {  	[smem:$0x3FA5] =	sst s1  }
0xa: {  	[smem:$0x3FA6] =	sst s2  }
0xb: {  	[smem:$0x3FA7] =	sst s3  }
0xc: {  	[smem:$0x3FA8] =	sst s4  }
0xd: {  	[smem:$0x3FA9] =	sst s5  }
0xe: {  	[smem:$0x3FAA] =	sst s6  }
0xf: {  	[smem:$0x3FAB] =	sst s7  }
0x10: {  	[smem:$0x3FAC] =	sst s8  }
0x11: {  	[smem:$0x3FAD] =	sst s9;
	s0 =	simm.s32 @!p0 $0x0  }
0x12: {  	s1 =	sld [smem:$0x3F93];
	s0 =	simm.s32 @p0 $0x1  }
0x13: {  	[smem:$0x3FAE] =	sst s0;
	s0 =	simm.s32 @!p1 $0x0  }
0x14: {  	s2 =	sld [smem:$0x3F92];
	s0 =	simm.s32 @p1 $0x1  }
0x15: {  	[smem:$0x3FAF] =	sst s0;
	s0 =	simm.s32 @!p2 $0x0  }
0x16: {  	s3 =	sld [smem:$0x3FDB];
	s0 =	simm.s32 @p2 $0x1  }
0x17: {  	s4 =	simm.s32 $0x1BF5;
	[smem:$0x3FB1] =	sst s0  }
0x18: {  	s0 =	sld [smem:$0x3F94];
	_ =	swait.ge [sflag:s4], $0x0  }
0x19: {  	s7 =	sld [smem:$0x3F95]  }
0x1a: {  	s8 =	sadd.s32 $0xFFFFE003, lr  }
0x1b: {  	s9 =	sadd.s32 $0xFFFFFEF7, lr;
	s5 =	simm.s32 $0xFFFFFFFF;
	p2 =	slt.u32 s8, $0xFFFFF086  }
0x1c: {  	p1 =	slt.u32 s9, $0xF7A;
	s5 =	simm.s32 @!p2 $0x0  }
0x1d: {  	s5 =	simm.s32 @p1 $0x1;
	p0 =	seq.s32 s7, s2  }
0x1e: {  	s7 =	smul.u32 @!p0 $0xF7A, s2;
	p2 =	seq.s32 @!p0 s5, $0x0  }
0x1f: {  	s9 =	smul.u32 $0xF7A, s1;
	s8 =	simm.s32 @!p0 $0x1BF5;
	p2 =	por !p2, p0  }
0x20: {  	[sflag:s8] =	ssyncset.s32 @!p0 $0xFFFFF086;
	s6 =	sadd.s32 @!p0 s3, s7;
	s7 =	simm.s32 @!p0 $0x108  }
0x21: {  	s3 =	sadd.s32 s3, s9;
	s6 =	sadd.s32 @!p0 $0x88, s6;
	s7 =	simm.s32 @p2 $0x1082  }
0x22: {  	[simem:s7], [sflag:s8] =	dma.local @!p0 [hbm:s6], $0xF7A  }
0x23: {  	s9 =	sor.u32 $0xD0000000, s2;
	s6 =	simm.s32 $0x108;
	_ =	swait.ge @!p0 [sflag:s8], $0x0  }
0x24: {  	s3 =	sadd.s32 $0x88, s3;
	s6 =	simm.s32 @!p1 $0x1082;
	[sflag:s4] =	ssyncset.s32 $0xFFFFF086  }
0x25: {  	[simem:s6], [sflag:s4] =	dma.local [hbm:s3], $0xF7A  }
0x26: {  	[smem:$0x3F95] =	sst s1;
	(tag) =	ssettag s2;
	_ =	strace s9  }
0x27: {  	s1 =	sld [smem:$0x3FA5]  }
0x28: {  	s2 =	sld [smem:$0x3FA6]  }
0x29: {  	s4 =	sld [smem:$0x3FA8]  }
0x2a: {  	p0 =	seq.s32 s5, $0x0;
	s5 =	sld [smem:$0x3FA9]  }
0x2b: {  	s6 =	sld [smem:$0x3FAA]  }
0x2c: {  	s7 =	sld [smem:$0x3FAB]  }
0x2d: {  	s3 =	simm.s32 $0x108;
	s8 =	sld [smem:$0x3FAC]  }
0x2e: {  	s3 =	simm.s32 @!p0 $0x1082;
	s9 =	sld [smem:$0x3FAD]  }
0x2f: {  	lr =	sadd.s32 s0, s3;
	s0 =	sld [smem:$0x3FA4]  }
0x30: {  	s3 =	sld [smem:$0x3FA7]  }
0x31: {  	[smem:$0x3FB0] =	sst s10  }
0x32: {  	s10 =	sld [smem:$0x3FAE];
	_ =	sdelay $0x3  }
0x33: {  	p0 =	seq.s32 s10, $0x1;
	s10 =	sld [smem:$0x3FB0];
	_ =	sdelay $0x3  }
0x34: {  	[smem:$0x3FB0] =	sst s10  }
0x35: {  	s10 =	sld [smem:$0x3FAF];
	_ =	sdelay $0x3  }
0x36: {  	p1 =	seq.s32 s10, $0x1;
	s10 =	sld [smem:$0x3FB0];
	_ =	sdelay $0x3  }
0x37: {  	[smem:$0x3FB0] =	sst s10  }
0x38: {  	s10 =	sld [smem:$0x3FB1]  }
0x39: {  	_ = 	snop;
	(pc) =	sbr.ind lr, $3  }
0x3a: {  	_ = 	snop  }
0x3b: {  	_ = 	snop  }
0x3c: {  	p2 =	seq.s32 s10, $0x1;
	s10 =	sld [smem:$0x3FB0]  }
0x3d: {  	_ =	shalt  }
0x3e: {  	_ =	shalt  }
0x3f: {  	_ =	shalt  }
0x40: {  	_ =	shalt  }
0x41: {  	_ =	shalt  }
0x42: {  	_ =	shalt  }
0x43: {  	_ =	shalt  }
0x44: {  	_ =	shalt  }
0x45: {  	_ =	shalt  }
0x46: {  	_ =	shalt  }
0x47: {  	_ =	shalt  }
0x48: {  	_ =	shalt  }
0x49: {  	_ =	shalt  }
0x4a: {  	_ =	shalt  }
0x4b: {  	_ =	shalt  }
0x4c: {  	_ =	shalt  }
0x4d: {  	_ =	shalt  }
0x4e: {  	_ =	shalt  }
0x4f: {  	_ =	shalt  }
0x50: {  	_ =	shalt  }
0x51: {  	_ =	shalt  }
0x52: {  	_ =	shalt  }
0x53: {  	_ =	shalt  }
0x54: {  	_ =	shalt  }
0x55: {  	_ =	shalt  }
0x56: {  	_ =	shalt  }
0x57: {  	_ =	shalt  }
0x58: {  	_ =	shalt  }
0x59: {  	_ =	shalt  }
0x5a: {  	_ =	shalt  }
0x5b: {  	_ =	shalt  }
0x5c: {  	_ =	shalt  }
0x5d: {  	_ =	shalt  }
0x5e: {  	_ =	shalt  }
0x5f: {  	_ =	shalt  }
0x60: {  	_ =	shalt  }
0x61: {  	_ =	shalt  }
0x62: {  	_ =	shalt  }
0x63: {  	_ =	shalt  }
0x64: {  	_ =	shalt  }
0x65: {  	_ =	shalt  }
0x66: {  	_ =	shalt  }
0x67: {  	_ =	shalt  }
0x68: {  	_ =	shalt  }
0x69: {  	_ =	shalt  }
0x6a: {  	_ =	shalt  }
0x6b: {  	_ =	shalt  }
0x6c: {  	_ =	shalt  }
0x6d: {  	_ =	shalt  }
0x6e: {  	_ =	shalt  }
0x6f: {  	_ =	shalt  }
0x70: {  	_ =	shalt  }
0x71: {  	_ =	shalt  }
0x72: {  	_ =	shalt  }
0x73: {  	_ =	shalt  }
0x74: {  	_ =	shalt  }
0x75: {  	_ =	shalt  }
0x76: {  	_ =	shalt  }
0x77: {  	_ =	shalt  }
0x78: {  	_ =	shalt  }
0x79: {  	_ =	shalt  }
0x7a: {  	_ =	shalt  }
0x7b: {  	_ =	shalt  }
0x7c: {  	_ =	shalt  }
0x7d: {  	_ =	shalt  }
0x7e: {  	_ =	shalt  }
0x7f: {  	_ =	shalt  }
0x80: {  	_ =	shalt  }
0x81: {  	_ =	shalt  }
0x82: {  	_ =	shalt  }
0x83: {  	_ =	shalt  }
0x84: {  	_ =	shalt  }
0x85: {  	_ =	shalt  }
0x86: {  	_ =	shalt  }
0x87: {  	_ =	shalt  }
.Lfunc_end0:
.L_simem_size_0:
called_computation.2_lowered:
.L_overlay_start_0:
0x88: {  	s2 =	sld [smem:$0x3FD9]  }
0x89: {  	s3 =	sld [smem:$0x3FFE];
	_ =	sdelay $0x1  }
0x8a: {  	s1 =	srdreg.scid  }
0x8b: {  	s0 =	sand.u32 $0x1, s1  }
0x8c: {  	s16 =	sshll.u32 s0, $0xA;
	s2 =	sadd.s32 s3, s2  }
0x8d: {  	s2 =	sadd.s32 s2, s16  }
0x8e: {  	[smem:$0x3FBC] =	sst s2  }
0x8f: {  	_ = 	snop  }
0x90: {  	(tm) =	ssettm $0x1  }
0x91: {  	s17 =	sld [smem:$0x3FFB];
	_ =	sdelay $0x3  }
0x92: {  	_ =	strace s17  }
0x93: {  	s2 =	sld [smem:$0x3FFC];
	_ =	sdelay $0x3  }
0x94: {  	_ =	strace s2  }
0x95: {  	s2 =	sld [smem:$0x3FFD];
	_ =	sdelay $0x3  }
0x96: {  	_ =	strace s2  }
0x97: {  	_ =	strace $0x8FFFFFFF  }
0x98: {  	s18 =	sld [smem:$0x3FDB];
	_ =	sdelay $0x1  }
0x99: {  	s19 =	simm.s32 $_scs_section_size  }
0x9a: {  	s4 =	simm.s32 $_size__tile_overlayer_lowered;
	s5 =	simm.s32 $_tile_overlayer_lowered  }
0x9b: {  	s22 =	simm.s32 $0x1BFF;
	s21 =	sshll.u32 s5, $0x1;
	s2 =	sadd.s32 s19, s18  }
0x9c: {  	s6 =	simm.s32 $0x0;
	s20 =	sshll.u32 s4, $0x1;
	s4 =	sadd.s32 s21, s2  }
0x9d: {  	[timem:s6], [sflag:s22] =	dma.local [hbm:s4], s20  }
0x9e: {  	_ =	swait.ge [sflag:s22], s20  }
0x9f: {  	s3 =	ssub.s32 $0x0, s20;
	[sflag:s22] =	ssyncset.done $0x0  }
0xa0: {  	[sflag:s22] =	ssyncadd.s32 s3;
	_ =	sdelay $0x1  }
0xa1: {  	s23 =	simm.s32 $0x1B8B  }
0xa2: {  	_ =	swait.ge [sflag:s23], $0x1  }
0xa3: {  	[sflag:s23] =	ssyncset.done $0x0  }
0xa4: {  	s25 =	simm.s32 $0x1B8E;
	s24 =	sld [smem:$0x3FFE];
	[sflag:s23] =	ssyncadd.s32 $0xFFFFFFFF  }
0xa5: {  	s26 =	simm.s32 $execute0_lowered;
	[smem:$0x3FD2] =	sst s25  }
0xa6: {  	s4 =	sshll.u32 s26, $0x1;
	_ =	strace $0x8000004C;
	[dreg:$0x1] =	wrdreg $0xFFFFFFFF  }
0xa7: {  	s28 =	simm.s32 $_size_execute0_lowered;
	s2 =	sadd.s32 s2, s4;
	[dreg:$0x0] =	wrdreg $0x0  }
0xa8: {  	s4 =	sshll.u32 s28, $0x1;
	[dreg:$0x2] =	wrdreg s2  }
0xa9: {  	[dreg:$0x3] =	wrdreg s4  }
0xaa: {  	[dreg:$0x4] =	wrdreg $0xC0  }
0xab: {  	_ =	task [dreg:s6], $0x5FFFF  }
0xac: {  	[dreg:$0x1] =	wrdreg $0xFFFFFFFF  }
0xad: {  	[dreg:$0x0] =	wrdreg $0x60  }
0xae: {  	[dreg:$0x2] =	wrdreg s24  }
0xaf: {  	[dreg:$0x3] =	wrdreg $0x90000  }
0xb0: {  	[dreg:$0x4] =	wrdreg $0x9  }
0xb1: {  	_ =	task.clear_ibuf [dreg:s6], $0x5FFFF;
	_ =	strace $0x9000004C  }
0xb2: {  	s29 =	simm.s32 $0x9;
	_ =	strace $0x8000004E  }
0xb3: {  	_ =	swait.ge [sflag:s29], $0x1  }
0xb4: {  	[sflag:s29] =	ssyncadd.s32 $0xFFFFFFFF  }
0xb5: {  	_ =	strace $0x9000004E  }
0xb6: {  	_ =	sfence  }
0xb7: {  	s30 =	sld [smem:$0x0];
	_ =	sdelay $0x2  }
0xb8: {  	s31 =	sshll.u32 s1, $0xD;
	s1 =	sshrl.u32 s1, $0x2  }
0xb9: {  	s3 =	sand.u32 $0x4000, s31;
	s1 =	sadd.s32 s1, s30  }
0xba: {  	s0 =	sor.u32 s3, s0;
	s1 =	sshll.u32 s1, $0x11  }
0xbb: {  	s0 =	sor.u32 s1, s0  }
0xbc: {  	s0 =	sadd.s32 $0x8F2B, s0  }
0xbd: {  	[sflag:s0] =	ssyncadd.remote.s32 $0x1  }
0xbe: {  	_ =	sfence.sel $0xFFFF  }
0xbf: {  	[dreg:$0x0] =	wrdreg $0xFFFFFFFF;
	(pc) =	sbr.abs _section_cstart, $3  }
0xc0: {  	[dreg:$0x1] =	wrdreg $0xFFFFFFFF  }
0xc1: {  	_ =	task.clear_ibuf [dreg:s6], $0x2FFFF;
	_ =	strace $0x9FFFFFFF  }
0xc2: {  	(tm) =	ssettm $0x7FFFFFFF  }
0xc3: {  	_ =	shalt  }
tec
execute0_lowered:
.L_overlay_start_1:
0x0: {  	(tag) =	ssettag $0x1  }
0x1: {  	s1 =	srdreg.scid  }
0x2: {  	s0 =	stileid.u32;
	s7 =	rddreg [dreg:$0x0]  }
0x3: {  	s2 =	rddreg [dreg:$0x1];
	s3 =	simm.s32 $0x0;
	s13 =	simm.s32 $0x2800  }
0x4: {  	s14 =	simm.s32 $0x80;
	s15 =	simm.s32 $0x5000;
	s16 =	simm.s32 $0x1  }
0x5: {  	s17 =	simm.s32 $0x0;
	s6 =	sand.u32 $0x1, s1;
	s8 =	smul.u32 $0x13C00, s0  }
0x6: {  	s26 =	sshll.u32 s0, $0x1;
	[smem:$0x7FF] =	sst s3;
	s10 =	smul.u32 $0x4F000, s0  }
0x7: {  	s31 =	sshll.u32 s0, $0x6;
	s1 =	sor.u32 s6, s26;
	s5 =	smul.u32 $0x13C000, s6  }
0x8: {  	s6 =	ssub.s32 $0x2, s6;
	s4 =	smul.u32 $0x500, s1;
	s1 =	rddreg [dreg:$0x2]  }
0x9: {  	_ =	strace $0x8000004D;
	s28 =	sshrl.u32 s6, $0x1;
	s29 =	sshrl.u32 s10, $0x2  }
0xa: {  	s8 =	sadd.s32 s8, s5;
	s5 =	sadd.s32 $0x2600, s7;
	s30 =	ssub.s32 s6, s28  }
0xb: {  	s12 =	sadd.s32 s29, s2;
	s6 =	sor.u32 $0x1C02, s31;
	s9 =	sadd.s32 s4, s7  }
0xc: {  	s4 =	sadd.s32 $0x3EE00, s7;
	s8 =	sshrl.u32 s8, $0x3;
	s10 =	smax.u32 s30, $0x1  }
0xd: {  	s11 =	sadd.s32 s8, s7;
	s7 =	sadd.s32 $0x2AE00, s9;
	s8 =	sadd.s32 $0x34E00, s9  }
0xe: {  	s9 =	sadd.s32 $0xB4200, s11;
	s11 =	sshrl.u32 s12, $0x3;
	s12 =	simm.s32 $0x2  }
.LBB2_1:
0xf: {  	[spmem:s11], [sflag:s6] =	dma.local [hbm:s5], $0x2780  }
0x10: {  	_ =	swait.ge [sflag:s12], $0x2780  }
0x11: {  	[sflag:s12] =	ssyncset.done $0x0  }
0x12: {  	[sflag:s12] =	ssyncadd.s32 $0xFFFFD880  }
0x13: {  	[tilespmem:s3], [sflag:$0x2] =	stream.linear.gather [hbm4b:s7+s3], $0x2780, $0x38;
	[tilespmem:$0x1CC00] =	vst v63  }
0x14: {  	_ =	swait.ge [sflag:s12], $0x2780  }
0x15: {  	[sflag:s12] =	ssyncset.done $0x0  }
0x16: {  	[sflag:s12] =	ssyncadd.s32 $0xFFFFD880  }
0x17: {  	[tilespmem:s13], [sflag:$0x2] =	stream.linear.gather [hbm4b:s8+s3], $0x2780, $0x38;
	[tilespmem:$0x1CC00] =	vst v63  }
0x18: {  	_ =	swait.ge [sflag:s12], $0x2780  }
0x19: {  	[sflag:s12] =	ssyncset.done $0x0  }
0x1a: {  	[sflag:s12] =	ssyncadd.s32 $0xFFFFD880  }
0x1b: {  	s18 =	simm.s32 $0x0;
	[bflag:$0x0] =	sbarrier.arrive $0xFFFF  }
0x1c: {  	[tilespmem:s15], [sflag:$0x1] =	stream.indirect.gather [hbm4b:s4+s14], $0x80, s18, s14, $0xb8;
	[tilespmem:$0x1CC00] =	vst v63  }
0x1d: {  	_ =	swait.ge [sflag:s16], $0x4000  }
0x1e: {  	[sflag:s16] =	ssyncset.done $0x0  }
0x1f: {  	s31 =	simm.s32 $0x2800;
	[sflag:s16] =	ssyncadd.s32 $0xFFFFC000  }
0x20: {  	[spmem:s2] =	stream.indirect.scatter.add.f32 [tilespmem:s15], [sflag:$0x2], $0x80, s31, s14, $0xb8;
	[tilespmem:$0x1CC00] =	vst v63  }
0x21: {  	_ =	swait.ge [sflag:s12], $0x4000  }
0x22: {  	s19 =	simm.s32 $0x400;
	s18 =	simm.s32 $0x200;
	[sflag:s12] =	ssyncset.done $0x0  }
.LBB2_2:
0x23: {  	s20 =	sshra.s32 s18, $0x2  }
0x24: {  	[sflag:s12] =	ssyncadd.s32 $0xFFFFC000;
	s18 =	smov.u32 s19;
	s21 =	sadd.s32 $0x200, s19  }
0x25: {  	[tilespmem:s15], [sflag:$0x1] =	stream.indirect.gather [hbm4b:s4+s14], $0x80, s20, s14, $0xb8;
	[tilespmem:$0x1CC00] =	vst v63  }
0x26: {  	p0 =	sne.s32 s19, $0x9C00;
	_ =	swait.ge [sflag:s16], $0x4000  }
.Ltmp0:
0x27: {  	[sflag:s16] =	ssyncset.done $0x0;
	(pc) =	sbr.rel @p0 .LBB2_2-.Ltmp0, $4  }
0x28: {  	s19 =	sadd.s32 $0x2800, s20;
	[sflag:s16] =	ssyncadd.s32 $0xFFFFC000  }
0x29: {  	[spmem:s2] =	stream.indirect.scatter.add.f32 [tilespmem:s15], [sflag:$0x2], $0x80, s19, s14, $0xb8;
	[tilespmem:$0x1CC00] =	vst v63  }
0x2a: {  	_ =	swait.ge [sflag:s12], $0x4000  }
0x2b: {  	s19 =	smov.u32 s21;
	[sflag:s12] =	ssyncset.done $0x0  }
0x2c: {  	s18 =	sshra.s32 s18, $0x2;
	[sflag:s12] =	ssyncadd.s32 $0xFFFFC000  }
0x2d: {  	[tilespmem:s15], [sflag:$0x1] =	stream.indirect.gather [hbm4b:s4+s14], $0x80, s18, s14, $0xb8;
	[tilespmem:$0x1CC00] =	vst v63  }
0x2e: {  	_ =	swait.ge [sflag:s16], $0x4000  }
0x2f: {  	[sflag:s16] =	ssyncset.done $0x0  }
0x30: {  	s18 =	sadd.s32 $0x2800, s18;
	[sflag:s16] =	ssyncadd.s32 $0xFFFFC000  }
0x31: {  	[spmem:s2] =	stream.indirect.scatter.add.f32 [tilespmem:s15], [sflag:$0x2], $0x80, s18, s14, $0xb8;
	[tilespmem:$0x1CC00] =	vst v63  }
0x32: {  	_ =	swait.ge [sflag:s12], $0x4000  }
0x33: {  	s17 =	sadd.s32 $0x1, s17;
	[sflag:s12] =	ssyncset.done $0x0  }
0x34: {  	p0 =	sne.s32 s17, s10;
	[sflag:s12] =	ssyncadd.s32 $0xFFFFC000  }
.Ltmp1:
0x35: {  	[bflag:$0x0] =	sbarrier.arrive $0xFFFF;
	(pc) =	sbr.rel @p0 .LBB2_1-.Ltmp1, $4  }
0x36: {  	[hbm:s9], [sflag:s6] =	dma.local [spmem:s11], $0x2780  }
0x37: {  	_ =	swait.ge [sflag:s12], $0x2780  }
0x38: {  	[sflag:s12] =	ssyncset.done $0x0  }
0x39: {  	[sflag:s12] =	ssyncadd.s32 $0xFFFFD880  }
0x3a: {  	_ =	sfence.sel $0x180000  }
0x3b: {  	[bflag:$0x0] =	sbarrier.arrive $0xFFFF  }
0x3c: {  	p0 =	sne.s32 s0, $0x0;
	_ =	strace $0x9000004D  }
0x3d: {  	s0 =	sadd.s32 @!p0 $0x100000, s1;
	[bflag:$0x2] =	sbarrier.arrive $0xFFFF  }
0x3e: {  	[sflag:s0] =	ssyncadd.tile.s32 @!p0 $0x1;
	_ =	shalt  }
.Lfunc_end2:
_tile_overlayer_lowered:
.L_overlay_start_2:
0x3f: {  	(tag) =	ssettag $0x2  }
0x40: {  	s0 =	rddreg [dreg:$0x0];
	s2 =	stileid.u32  }
0x41: {  	s1 =	rddreg [dreg:$0x1];
	p0 =	sne.s32 s2, $0x0  }
0x42: {  	s3 =	rddreg [dreg:$0x2];
	[bflag:$0x3] =	sbarrier.arrive $0xFFFF;
	s2 =	simm.s32 @!p0 $0x1C02  }
0x43: {  	[timem:s3], [sflag:s2] =	dma.local @!p0 [hbm:s0], s1  }
0x44: {  	s0 =	simm.s32 @!p0 $0x2  }
0x45: {  	_ =	swait.ge @!p0 [sflag:s0], s1  }
0x46: {  	s1 =	ssub.s32 @!p0 $0x0, s1;
	[sflag:s0] =	ssyncset.done @!p0 $0x0  }
0x47: {  	[sflag:s0] =	ssyncadd.s32 @!p0 s1  }
0x48: {  	[bflag:$0x3] =	sbarrier.arrive $0xFFFF  }
0x49: {  	_ =	shalt  }

// kernel: kernel.22.cloned.1.call-start
scs
__scs_entry_jumppad:
0x0: {  	(pc) =	sbr.rel $0x88, $3  }
0x1: {  	(tag) =	ssettag $0x0;
	lr =	simm.s32 $0x1  }
0x2: {  	[smem:$0x3F95] =	sst lr;
	_ =	strace $0xD0000000  }
0x3: {  	_ = 	snop  }
0x4: {  	_ = 	snop  }
0x5: {  	_ = 	snop  }
0x6: {  	_ = 	snop  }
0x7: {  	_ = 	snop  }
__scs_overlays_trampoline_lowered:
0x8: {  	[smem:$0x3FA4] =	sst s0  }
0x9: {  	[smem:$0x3FA5] =	sst s1  }
0xa: {  	[smem:$0x3FA6] =	sst s2  }
0xb: {  	[smem:$0x3FA7] =	sst s3  }
0xc: {  	[smem:$0x3FA8] =	sst s4  }
0xd: {  	[smem:$0x3FA9] =	sst s5  }
0xe: {  	[smem:$0x3FAA] =	sst s6  }
0xf: {  	[smem:$0x3FAB] =	sst s7  }
0x10: {  	[smem:$0x3FAC] =	sst s8  }
0x11: {  	[smem:$0x3FAD] =	sst s9;
	s0 =	simm.s32 @!p0 $0x0  }
0x12: {  	s1 =	sld [smem:$0x3F93];
	s0 =	simm.s32 @p0 $0x1  }
0x13: {  	[smem:$0x3FAE] =	sst s0;
	s0 =	simm.s32 @!p1 $0x0  }
0x14: {  	s2 =	sld [smem:$0x3F92];
	s0 =	simm.s32 @p1 $0x1  }
0x15: {  	[smem:$0x3FAF] =	sst s0;
	s0 =	simm.s32 @!p2 $0x0  }
0x16: {  	s3 =	sld [smem:$0x3FDB];
	s0 =	simm.s32 @p2 $0x1  }
0x17: {  	s4 =	simm.s32 $0x1BF5;
	[smem:$0x3FB1] =	sst s0  }
0x18: {  	s0 =	sld [smem:$0x3F94];
	_ =	swait.ge [sflag:s4], $0x0  }
0x19: {  	s7 =	sld [smem:$0x3F95]  }
0x1a: {  	s8 =	sadd.s32 $0xFFFFE003, lr  }
0x1b: {  	s9 =	sadd.s32 $0xFFFFFEF7, lr;
	s5 =	simm.s32 $0xFFFFFFFF;
	p2 =	slt.u32 s8, $0xFFFFF086  }
0x1c: {  	p1 =	slt.u32 s9, $0xF7A;
	s5 =	simm.s32 @!p2 $0x0  }
0x1d: {  	s5 =	simm.s32 @p1 $0x1;
	p0 =	seq.s32 s7, s2  }
0x1e: {  	s7 =	smul.u32 @!p0 $0xF7A, s2;
	p2 =	seq.s32 @!p0 s5, $0x0  }
0x1f: {  	s9 =	smul.u32 $0xF7A, s1;
	s8 =	simm.s32 @!p0 $0x1BF5;
	p2 =	por !p2, p0  }
0x20: {  	[sflag:s8] =	ssyncset.s32 @!p0 $0xFFFFF086;
	s6 =	sadd.s32 @!p0 s3, s7;
	s7 =	simm.s32 @!p0 $0x108  }
0x21: {  	s3 =	sadd.s32 s3, s9;
	s6 =	sadd.s32 @!p0 $0x88, s6;
	s7 =	simm.s32 @p2 $0x1082  }
0x22: {  	[simem:s7], [sflag:s8] =	dma.local @!p0 [hbm:s6], $0xF7A  }
0x23: {  	s9 =	sor.u32 $0xD0000000, s2;
	s6 =	simm.s32 $0x108;
	_ =	swait.ge @!p0 [sflag:s8], $0x0  }
0x24: {  	s3 =	sadd.s32 $0x88, s3;
	s6 =	simm.s32 @!p1 $0x1082;
	[sflag:s4] =	ssyncset.s32 $0xFFFFF086  }
0x25: {  	[simem:s6], [sflag:s4] =	dma.local [hbm:s3], $0xF7A  }
0x26: {  	[smem:$0x3F95] =	sst s1;
	(tag) =	ssettag s2;
	_ =	strace s9  }
0x27: {  	s1 =	sld [smem:$0x3FA5]  }
0x28: {  	s2 =	sld [smem:$0x3FA6]  }
0x29: {  	s4 =	sld [smem:$0x3FA8]  }
0x2a: {  	p0 =	seq.s32 s5, $0x0;
	s5 =	sld [smem:$0x3FA9]  }
0x2b: {  	s6 =	sld [smem:$0x3FAA]  }
0x2c: {  	s7 =	sld [smem:$0x3FAB]  }
0x2d: {  	s3 =	simm.s32 $0x108;
	s8 =	sld [smem:$0x3FAC]  }
0x2e: {  	s3 =	simm.s32 @!p0 $0x1082;
	s9 =	sld [smem:$0x3FAD]  }
0x2f: {  	lr =	sadd.s32 s0, s3;
	s0 =	sld [smem:$0x3FA4]  }
0x30: {  	s3 =	sld [smem:$0x3FA7]  }
0x31: {  	[smem:$0x3FB0] =	sst s10  }
0x32: {  	s10 =	sld [smem:$0x3FAE];
	_ =	sdelay $0x3  }
0x33: {  	p0 =	seq.s32 s10, $0x1;
	s10 =	sld [smem:$0x3FB0];
	_ =	sdelay $0x3  }
0x34: {  	[smem:$0x3FB0] =	sst s10  }
0x35: {  	s10 =	sld [smem:$0x3FAF];
	_ =	sdelay $0x3  }
0x36: {  	p1 =	seq.s32 s10, $0x1;
	s10 =	sld [smem:$0x3FB0];
	_ =	sdelay $0x3  }
0x37: {  	[smem:$0x3FB0] =	sst s10  }
0x38: {  	s10 =	sld [smem:$0x3FB1]  }
0x39: {  	_ = 	snop;
	(pc) =	sbr.ind lr, $3  }
0x3a: {  	_ = 	snop  }
0x3b: {  	_ = 	snop  }
0x3c: {  	p2 =	seq.s32 s10, $0x1;
	s10 =	sld [smem:$0x3FB0]  }
0x3d: {  	_ =	shalt  }
0x3e: {  	_ =	shalt  }
0x3f: {  	_ =	shalt  }
0x40: {  	_ =	shalt  }
0x41: {  	_ =	shalt  }
0x42: {  	_ =	shalt  }
0x43: {  	_ =	shalt  }
0x44: {  	_ =	shalt  }
0x45: {  	_ =	shalt  }
0x46: {  	_ =	shalt  }
0x47: {  	_ =	shalt  }
0x48: {  	_ =	shalt  }
0x49: {  	_ =	shalt  }
0x4a: {  	_ =	shalt  }
0x4b: {  	_ =	shalt  }
0x4c: {  	_ =	shalt  }
0x4d: {  	_ =	shalt  }
0x4e: {  	_ =	shalt  }
0x4f: {  	_ =	shalt  }
0x50: {  	_ =	shalt  }
0x51: {  	_ =	shalt  }
0x52: {  	_ =	shalt  }
0x53: {  	_ =	shalt  }
0x54: {  	_ =	shalt  }
0x55: {  	_ =	shalt  }
0x56: {  	_ =	shalt  }
0x57: {  	_ =	shalt  }
0x58: {  	_ =	shalt  }
0x59: {  	_ =	shalt  }
0x5a: {  	_ =	shalt  }
0x5b: {  	_ =	shalt  }
0x5c: {  	_ =	shalt  }
0x5d: {  	_ =	shalt  }
0x5e: {  	_ =	shalt  }
0x5f: {  	_ =	shalt  }
0x60: {  	_ =	shalt  }
0x61: {  	_ =	shalt  }
0x62: {  	_ =	shalt  }
0x63: {  	_ =	shalt  }
0x64: {  	_ =	shalt  }
0x65: {  	_ =	shalt  }
0x66: {  	_ =	shalt  }
0x67: {  	_ =	shalt  }
0x68: {  	_ =	shalt  }
0x69: {  	_ =	shalt  }
0x6a: {  	_ =	shalt  }
0x6b: {  	_ =	shalt  }
0x6c: {  	_ =	shalt  }
0x6d: {  	_ =	shalt  }
0x6e: {  	_ =	shalt  }
0x6f: {  	_ =	shalt  }
0x70: {  	_ =	shalt  }
0x71: {  	_ =	shalt  }
0x72: {  	_ =	shalt  }
0x73: {  	_ =	shalt  }
0x74: {  	_ =	shalt  }
0x75: {  	_ =	shalt  }
0x76: {  	_ =	shalt  }
0x77: {  	_ =	shalt  }
0x78: {  	_ =	shalt  }
0x79: {  	_ =	shalt  }
0x7a: {  	_ =	shalt  }
0x7b: {  	_ =	shalt  }
0x7c: {  	_ =	shalt  }
0x7d: {  	_ =	shalt  }
0x7e: {  	_ =	shalt  }
0x7f: {  	_ =	shalt  }
0x80: {  	_ =	shalt  }
0x81: {  	_ =	shalt  }
0x82: {  	_ =	shalt  }
0x83: {  	_ =	shalt  }
0x84: {  	_ =	shalt  }
0x85: {  	_ =	shalt  }
0x86: {  	_ =	shalt  }
0x87: {  	_ =	shalt  }
.Lfunc_end0:
.L_simem_size_0:
called_computation.3_lowered:
.L_overlay_start_0:
0x88: {  	s2 =	sld [smem:$0x3FD9]  }
0x89: {  	s3 =	sld [smem:$0x3FFE];
	_ =	sdelay $0x1  }
0x8a: {  	s1 =	srdreg.scid  }
0x8b: {  	s0 =	sand.u32 $0x1, s1  }
0x8c: {  	s16 =	sshll.u32 s0, $0xA;
	s2 =	sadd.s32 s3, s2  }
0x8d: {  	s2 =	sadd.s32 s2, s16  }
0x8e: {  	[smem:$0x3FBC] =	sst s2  }
0x8f: {  	_ = 	snop  }
0x90: {  	(tm) =	ssettm $0x1  }
0x91: {  	s17 =	sld [smem:$0x3FFB];
	_ =	sdelay $0x3  }
0x92: {  	_ =	strace s17  }
0x93: {  	s2 =	sld [smem:$0x3FFC];
	_ =	sdelay $0x3  }
0x94: {  	_ =	strace s2  }
0x95: {  	s2 =	sld [smem:$0x3FFD];
	_ =	sdelay $0x3  }
0x96: {  	_ =	strace s2  }
0x97: {  	_ =	strace $0x8FFFFFFF  }
0x98: {  	s18 =	sld [smem:$0x3FDB];
	_ =	sdelay $0x1  }
0x99: {  	s19 =	simm.s32 $_scs_section_size  }
0x9a: {  	s4 =	simm.s32 $_size__tile_overlayer_lowered;
	s5 =	simm.s32 $_tile_overlayer_lowered  }
0x9b: {  	s22 =	simm.s32 $0x1BFF;
	s21 =	sshll.u32 s5, $0x1;
	s2 =	sadd.s32 s19, s18  }
0x9c: {  	s6 =	simm.s32 $0x0;
	s20 =	sshll.u32 s4, $0x1;
	s4 =	sadd.s32 s21, s2  }
0x9d: {  	[timem:s6], [sflag:s22] =	dma.local [hbm:s4], s20  }
0x9e: {  	_ =	swait.ge [sflag:s22], s20  }
0x9f: {  	s3 =	ssub.s32 $0x0, s20;
	[sflag:s22] =	ssyncset.done $0x0  }
0xa0: {  	[sflag:s22] =	ssyncadd.s32 s3;
	_ =	sdelay $0x1  }
0xa1: {  	s23 =	simm.s32 $0x1B8B  }
0xa2: {  	_ =	swait.ge [sflag:s23], $0x1  }
0xa3: {  	[sflag:s23] =	ssyncset.done $0x0  }
0xa4: {  	s25 =	simm.s32 $0x1B8E;
	s24 =	sld [smem:$0x3FFE];
	[sflag:s23] =	ssyncadd.s32 $0xFFFFFFFF  }
0xa5: {  	s26 =	simm.s32 $execute0_lowered;
	[smem:$0x3FD2] =	sst s25  }
0xa6: {  	s4 =	sshll.u32 s26, $0x1;
	_ =	strace $0x8000004F;
	[dreg:$0x1] =	wrdreg $0xFFFFFFFF  }
0xa7: {  	s28 =	simm.s32 $_size_execute0_lowered;
	s2 =	sadd.s32 s2, s4;
	[dreg:$0x0] =	wrdreg $0x0  }
0xa8: {  	s4 =	sshll.u32 s28, $0x1;
	[dreg:$0x2] =	wrdreg s2  }
0xa9: {  	[dreg:$0x3] =	wrdreg s4  }
0xaa: {  	[dreg:$0x4] =	wrdreg $0xC0  }
0xab: {  	_ =	task [dreg:s6], $0x5FFFF  }
0xac: {  	[dreg:$0x1] =	wrdreg $0xFFFFFFFF  }
0xad: {  	[dreg:$0x0] =	wrdreg $0x60  }
0xae: {  	[dreg:$0x2] =	wrdreg s24  }
0xaf: {  	[dreg:$0x3] =	wrdreg $0x90000  }
0xb0: {  	[dreg:$0x4] =	wrdreg $0x9  }
0xb1: {  	_ =	task.clear_ibuf [dreg:s6], $0x5FFFF;
	_ =	strace $0x9000004F  }
0xb2: {  	s29 =	simm.s32 $0x9;
	_ =	strace $0x80000051  }
0xb3: {  	_ =	swait.ge [sflag:s29], $0x1  }
0xb4: {  	[sflag:s29] =	ssyncadd.s32 $0xFFFFFFFF  }
0xb5: {  	_ =	strace $0x90000051  }
0xb6: {  	_ =	sfence  }
0xb7: {  	s30 =	sld [smem:$0x0];
	_ =	sdelay $0x2  }
0xb8: {  	s31 =	sshll.u32 s1, $0xD;
	s1 =	sshrl.u32 s1, $0x2  }
0xb9: {  	s3 =	sand.u32 $0x4000, s31;
	s1 =	sadd.s32 s1, s30  }
0xba: {  	s0 =	sor.u32 s3, s0;
	s1 =	sshll.u32 s1, $0x11  }
0xbb: {  	s0 =	sor.u32 s1, s0  }
0xbc: {  	s0 =	sadd.s32 $0x8F2B, s0  }
0xbd: {  	[sflag:s0] =	ssyncadd.remote.s32 $0x1  }
0xbe: {  	_ =	sfence.sel $0xFFFF  }
0xbf: {  	[dreg:$0x0] =	wrdreg $0xFFFFFFFF;
	(pc) =	sbr.abs _section_cstart, $3  }
0xc0: {  	[dreg:$0x1] =	wrdreg $0xFFFFFFFF  }
0xc1: {  	_ =	task.clear_ibuf [dreg:s6], $0x2FFFF;
	_ =	strace $0x9FFFFFFF  }
0xc2: {  	(tm) =	ssettm $0x7FFFFFFF  }
0xc3: {  	_ =	shalt  }
tec
execute0_lowered:
.L_overlay_start_1:
0x0: {  	(tag) =	ssettag $0x1  }
0x1: {  	s1 =	srdreg.scid  }
0x2: {  	s0 =	stileid.u32;
	s7 =	rddreg [dreg:$0x0]  }
0x3: {  	s2 =	rddreg [dreg:$0x1];
	s3 =	simm.s32 $0x0;
	s13 =	simm.s32 $0x2800  }
0x4: {  	s14 =	simm.s32 $0x80;
	s15 =	simm.s32 $0x5000;
	s16 =	simm.s32 $0x1  }
0x5: {  	s17 =	simm.s32 $0x0;
	s6 =	sand.u32 $0x1, s1;
	s8 =	smul.u32 $0x13C00, s0  }
0x6: {  	s26 =	sshll.u32 s0, $0x1;
	[smem:$0x7FF] =	sst s3;
	s10 =	smul.u32 $0x4F000, s0  }
0x7: {  	s31 =	sshll.u32 s0, $0x6;
	s1 =	sor.u32 s6, s26;
	s5 =	smul.u32 $0x13C000, s6  }
0x8: {  	s6 =	ssub.s32 $0x2, s6;
	s4 =	smul.u32 $0x500, s1;
	s1 =	rddreg [dreg:$0x2]  }
0x9: {  	_ =	strace $0x80000050;
	s28 =	sshrl.u32 s6, $0x1;
	s29 =	sshrl.u32 s10, $0x2  }
0xa: {  	s8 =	sadd.s32 s8, s5;
	s5 =	sadd.s32 $0x2600, s7;
	s30 =	ssub.s32 s6, s28  }
0xb: {  	s12 =	sadd.s32 s29, s2;
	s6 =	sor.u32 $0x1C02, s31;
	s9 =	sadd.s32 s4, s7  }
0xc: {  	s4 =	sadd.s32 $0x3EE00, s7;
	s8 =	sshrl.u32 s8, $0x3;
	s10 =	smax.u32 s30, $0x1  }
0xd: {  	s11 =	sadd.s32 s8, s7;
	s7 =	sadd.s32 $0x2AE00, s9;
	s8 =	sadd.s32 $0x34E00, s9  }
0xe: {  	s9 =	sadd.s32 $0xB4200, s11;
	s11 =	sshrl.u32 s12, $0x3;
	s12 =	simm.s32 $0x2  }
.LBB2_1:
0xf: {  	[spmem:s11], [sflag:s6] =	dma.local [hbm:s5], $0x2780  }
0x10: {  	_ =	swait.ge [sflag:s12], $0x2780  }
0x11: {  	[sflag:s12] =	ssyncset.done $0x0  }
0x12: {  	[sflag:s12] =	ssyncadd.s32 $0xFFFFD880  }
0x13: {  	[tilespmem:s3], [sflag:$0x2] =	stream.linear.gather [hbm4b:s7+s3], $0x2780, $0x38;
	[tilespmem:$0x1CC00] =	vst v63  }
0x14: {  	_ =	swait.ge [sflag:s12], $0x2780  }
0x15: {  	[sflag:s12] =	ssyncset.done $0x0  }
0x16: {  	[sflag:s12] =	ssyncadd.s32 $0xFFFFD880  }
0x17: {  	[tilespmem:s13], [sflag:$0x2] =	stream.linear.gather [hbm4b:s8+s3], $0x2780, $0x38;
	[tilespmem:$0x1CC00] =	vst v63  }
0x18: {  	_ =	swait.ge [sflag:s12], $0x2780  }
0x19: {  	[sflag:s12] =	ssyncset.done $0x0  }
0x1a: {  	[sflag:s12] =	ssyncadd.s32 $0xFFFFD880  }
0x1b: {  	s18 =	simm.s32 $0x0;
	[bflag:$0x0] =	sbarrier.arrive $0xFFFF  }
0x1c: {  	[tilespmem:s15], [sflag:$0x1] =	stream.indirect.gather [hbm4b:s4+s14], $0x80, s18, s14, $0xb8;
	[tilespmem:$0x1CC00] =	vst v63  }
0x1d: {  	_ =	swait.ge [sflag:s16], $0x4000  }
0x1e: {  	[sflag:s16] =	ssyncset.done $0x0  }
0x1f: {  	s31 =	simm.s32 $0x2800;
	[sflag:s16] =	ssyncadd.s32 $0xFFFFC000  }
0x20: {  	[spmem:s2] =	stream.indirect.scatter.add.f32 [tilespmem:s15], [sflag:$0x2], $0x80, s31, s14, $0xb8;
	[tilespmem:$0x1CC00] =	vst v63  }
0x21: {  	_ =	swait.ge [sflag:s12], $0x4000  }
0x22: {  	s19 =	simm.s32 $0x400;
	s18 =	simm.s32 $0x200;
	[sflag:s12] =	ssyncset.done $0x0  }
.LBB2_2:
0x23: {  	s20 =	sshra.s32 s18, $0x2  }
0x24: {  	[sflag:s12] =	ssyncadd.s32 $0xFFFFC000;
	s18 =	smov.u32 s19;
	s21 =	sadd.s32 $0x200, s19  }
0x25: {  	[tilespmem:s15], [sflag:$0x1] =	stream.indirect.gather [hbm4b:s4+s14], $0x80, s20, s14, $0xb8;
	[tilespmem:$0x1CC00] =	vst v63  }
0x26: {  	p0 =	sne.s32 s19, $0x9C00;
	_ =	swait.ge [sflag:s16], $0x4000  }
.Ltmp0:
0x27: {  	[sflag:s16] =	ssyncset.done $0x0;
	(pc) =	sbr.rel @p0 .LBB2_2-.Ltmp0, $4  }
0x28: {  	s19 =	sadd.s32 $0x2800, s20;
	[sflag:s16] =	ssyncadd.s32 $0xFFFFC000  }
0x29: {  	[spmem:s2] =	stream.indirect.scatter.add.f32 [tilespmem:s15], [sflag:$0x2], $0x80, s19, s14, $0xb8;
	[tilespmem:$0x1CC00] =	vst v63  }
0x2a: {  	_ =	swait.ge [sflag:s12], $0x4000  }
0x2b: {  	s19 =	smov.u32 s21;
	[sflag:s12] =	ssyncset.done $0x0  }
0x2c: {  	s18 =	sshra.s32 s18, $0x2;
	[sflag:s12] =	ssyncadd.s32 $0xFFFFC000  }
0x2d: {  	[tilespmem:s15], [sflag:$0x1] =	stream.indirect.gather [hbm4b:s4+s14], $0x80, s18, s14, $0xb8;
	[tilespmem:$0x1CC00] =	vst v63  }
0x2e: {  	_ =	swait.ge [sflag:s16], $0x4000  }
0x2f: {  	[sflag:s16] =	ssyncset.done $0x0  }
0x30: {  	s18 =	sadd.s32 $0x2800, s18;
	[sflag:s16] =	ssyncadd.s32 $0xFFFFC000  }
0x31: {  	[spmem:s2] =	stream.indirect.scatter.add.f32 [tilespmem:s15], [sflag:$0x2], $0x80, s18, s14, $0xb8;
	[tilespmem:$0x1CC00] =	vst v63  }
0x32: {  	_ =	swait.ge [sflag:s12], $0x4000  }
0x33: {  	s17 =	sadd.s32 $0x1, s17;
	[sflag:s12] =	ssyncset.done $0x0  }
0x34: {  	p0 =	sne.s32 s17, s10;
	[sflag:s12] =	ssyncadd.s32 $0xFFFFC000  }
.Ltmp1:
0x35: {  	[bflag:$0x0] =	sbarrier.arrive $0xFFFF;
	(pc) =	sbr.rel @p0 .LBB2_1-.Ltmp1, $4  }
0x36: {  	[hbm:s9], [sflag:s6] =	dma.local [spmem:s11], $0x2780  }
0x37: {  	_ =	swait.ge [sflag:s12], $0x2780  }
0x38: {  	[sflag:s12] =	ssyncset.done $0x0  }
0x39: {  	[sflag:s12] =	ssyncadd.s32 $0xFFFFD880  }
0x3a: {  	_ =	sfence.sel $0x180000  }
0x3b: {  	[bflag:$0x0] =	sbarrier.arrive $0xFFFF  }
0x3c: {  	p0 =	sne.s32 s0, $0x0;
	_ =	strace $0x90000050  }
0x3d: {  	s0 =	sadd.s32 @!p0 $0x100000, s1;
	[bflag:$0x2] =	sbarrier.arrive $0xFFFF  }
0x3e: {  	[sflag:s0] =	ssyncadd.tile.s32 @!p0 $0x1;
	_ =	shalt  }
.Lfunc_end2:
_tile_overlayer_lowered:
.L_overlay_start_2:
0x3f: {  	(tag) =	ssettag $0x2  }
0x40: {  	s0 =	rddreg [dreg:$0x0];
	s2 =	stileid.u32  }
0x41: {  	s1 =	rddreg [dreg:$0x1];
	p0 =	sne.s32 s2, $0x0  }
0x42: {  	s3 =	rddreg [dreg:$0x2];
	[bflag:$0x3] =	sbarrier.arrive $0xFFFF;
	s2 =	simm.s32 @!p0 $0x1C02  }
0x43: {  	[timem:s3], [sflag:s2] =	dma.local @!p0 [hbm:s0], s1  }
0x44: {  	s0 =	simm.s32 @!p0 $0x2  }
0x45: {  	_ =	swait.ge @!p0 [sflag:s0], s1  }
0x46: {  	s1 =	ssub.s32 @!p0 $0x0, s1;
	[sflag:s0] =	ssyncset.done @!p0 $0x0  }
0x47: {  	[sflag:s0] =	ssyncadd.s32 @!p0 s1  }
0x48: {  	[bflag:$0x3] =	sbarrier.arrive $0xFFFF  }
0x49: {  	_ =	shalt  }

</sc_bundles>
